<compile_context>
chip_gen: v7x
topology: tpu7x:2x2x1
jax: 0.10.2.dev20260603
libtpu: 0.0.44.dev20260713+nightly
codegen_flags: <defaults>
</compile_context>

<pallas_src>
import jax
import jax.numpy as jnp
from jax import lax
from jax.experimental import pallas as pl
from jax.experimental.pallas import tpu as pltpu
from jax.experimental.pallas import tpu_sc as plsc

DIM = 32
BATCH = 16384
PACK = 4
ROW = PACK * DIM
NC, NS = 2, 16
NW = NC * NS
B_PER_W = BATCH // NW
CHUNK = 128
NCHUNK = B_PER_W // CHUNK
TBLK = 8192
SANITY_EPS = 1e-08


def _tpack_kernel(xp_ref, xb_ref, op_ref, ob_ref):
    q = TBLK // PACK
    op_ref[...] = jnp.concatenate(
        [xp_ref[:, p * q:(p + 1) * q].T for p in range(PACK)], axis=1)
    ob_ref[...] = jnp.concatenate(
        [xb_ref[:, p * q:(p + 1) * q].T for p in range(PACK)], axis=1)


def _tpack(ept, ebt, interpret=False):
    n = ept.shape[1]
    nblk = pl.cdiv(n, TBLK)
    grid = (nblk,)
    in_spec = pl.BlockSpec((DIM, TBLK), lambda i: (0, i))
    out_spec = pl.BlockSpec((TBLK // PACK, ROW), lambda i: (i, 0))
    n4 = nblk * (TBLK // PACK)
    return pl.pallas_call(
        _tpack_kernel,
        grid=grid,
        in_specs=[in_spec, in_spec],
        out_specs=[out_spec, out_spec],
        out_shape=[jax.ShapeDtypeStruct((n4, ROW), jnp.float32),
                   jax.ShapeDtypeStruct((n4, ROW), jnp.float32)],
        interpret=interpret,
    )(ept, ebt)


def _sc_gather_kernel(ep_hbm, eb_hbm, rp_hbm, h4_hbm, t4_hbm, r_hbm,
                      o_hp, o_tp, o_hb, o_tb, o_rc,
                      ih, it, ir, buf0, buf1,
                      gs0, gs1, ws0, ws1):
    wid = lax.axis_index("s") * NC + lax.axis_index("c")
    base = wid * B_PER_W
    pltpu.sync_copy(h4_hbm.at[wid], ih)
    pltpu.sync_copy(t4_hbm.at[wid], it)
    pltpu.sync_copy(r_hbm.at[wid], ir)

    bufs = (buf0, buf1)
    gsem = (gs0, gs1)
    wsem = (ws0, ws1)
    jobs = []
    for tbl, idx, out in ((ep_hbm, ih, o_hp), (ep_hbm, it, o_tp),
                          (eb_hbm, ih, o_hb), (eb_hbm, it, o_tb),
                          (rp_hbm, ir, o_rc)):
        for c in range(NCHUNK):
            jobs.append((tbl, idx, out, c))

    g = [None, None]
    w = [None, None]
    prev = None
    for k, (tbl, idx, out, c) in enumerate(jobs):
        p = k % 2
        if w[p] is not None:
            w[p].wait()
        g[p] = pltpu.async_copy(tbl.at[idx.at[c]], bufs[p], gsem[p])
        if prev is not None:
            pout, pc, pp = prev
            g[pp].wait()
            w[pp] = pltpu.async_copy(
                bufs[pp], pout.at[pl.ds(base + pc * CHUNK, CHUNK)],
                wsem[pp])
        prev = (out, c, p)
    pout, pc, pp = prev
    g[pp].wait()
    w[pp] = pltpu.async_copy(
        bufs[pp], pout.at[pl.ds(base + pc * CHUNK, CHUNK)], wsem[pp])
    w[0].wait()
    w[1].wait()


def _sc_gather(ep4, eb4, relp, h4, t4, rr):
    mesh = plsc.VectorSubcoreMesh(core_axis_name="c", subcore_axis_name="s")
    f32 = jnp.float32
    out_type = [
        jax.ShapeDtypeStruct((BATCH, ROW), f32),
        jax.ShapeDtypeStruct((BATCH, ROW), f32),
        jax.ShapeDtypeStruct((BATCH, ROW), f32),
        jax.ShapeDtypeStruct((BATCH, ROW), f32),
        jax.ShapeDtypeStruct((BATCH, ROW), f32),
    ]
    scratch_types = [
        pltpu.VMEM((NCHUNK, CHUNK), jnp.int32),
        pltpu.VMEM((NCHUNK, CHUNK), jnp.int32),
        pltpu.VMEM((NCHUNK, CHUNK), jnp.int32),
        pltpu.VMEM((CHUNK, ROW), f32),
        pltpu.VMEM((CHUNK, ROW), f32),
        pltpu.SemaphoreType.DMA,
        pltpu.SemaphoreType.DMA,
        pltpu.SemaphoreType.DMA,
        pltpu.SemaphoreType.DMA,
    ]
    kern = pl.kernel(
        _sc_gather_kernel, out_type=out_type, mesh=mesh,
        scratch_types=scratch_types,
        compiler_params=pltpu.CompilerParams(use_tc_tiling_on_sc=False))
    return kern(ep4, eb4, relp, h4, t4, rr)


def _rel_pack_kernel(rb_ref, rs_ref, sm_ref, o_ref):
    rb = rb_ref[...]
    rs = rs_ref[...]
    sm = sm_ref[...]
    smv = jnp.where(sm > 0, sm, jnp.exp(sm) - 1.0) + 1.0

    def pnorm(x):
        lg = jnp.log(jnp.abs(x) + SANITY_EPS)
        return x / jnp.exp(jnp.mean(lg, axis=1, keepdims=True))

    rd_h = smv[:, 0:1] * pnorm(rs[:, 0:DIM])
    rd_t = smv[:, 1:2] * pnorm(rs[:, DIM:2 * DIM])
    o_ref[...] = jnp.concatenate([rb, rd_h, rd_t], axis=1)


def _rel_pack(rb64, rs64, sm2, interpret=False):
    nrel = rb64.shape[0]
    return pl.pallas_call(
        _rel_pack_kernel,
        out_shape=jax.ShapeDtypeStruct((nrel, ROW), jnp.float32),
        interpret=interpret,
    )(rb64, rs64, sm2)


def _tc_math_kernel(hp_ref, tp_ref, hb_ref, tb_ref, rc_ref,
                    hm_ref, tm_ref, o_ref):
    hm = hm_ref[...]
    tm = tm_ref[...]

    def select(packed, m):
        out = packed[:, 0:DIM] * (m == 0)
        for p in range(1, PACK):
            out = out + packed[:, p * DIM:(p + 1) * DIM] * (m == p)
        return out

    hp = select(hp_ref[...], hm)
    tp = select(tp_ref[...], tm)
    hb = select(hb_ref[...], hm)
    tb = select(tb_ref[...], tm)
    rc = rc_ref[...]

    hbn = hb / jnp.maximum(
        jnp.sqrt(jnp.sum(hb * hb, axis=1, keepdims=True)), 1e-12)
    tbn = tb / jnp.maximum(
        jnp.sqrt(jnp.sum(tb * tb, axis=1, keepdims=True)), 1e-12)
    bumped_h = hp + tbn
    bumped_t = tp + hbn

    rb_h = rc[:, 0:DIM]
    rb_t = rc[:, DIM:2 * DIM]
    rd_h = rc[:, 2 * DIM:3 * DIM]
    rd_t = rc[:, 3 * DIM:4 * DIM]

    def box_dist(pt, base, delta):
        w = jnp.abs(delta)
        low = base - 0.5 * w
        high = base + 0.5 * w
        center = 0.5 * (low + high)
        width = high - low
        wp1 = width + 1.0
        inside = jnp.logical_and(pt >= low, pt <= high)
        d_in = jnp.abs(pt - center) / wp1
        d_out = jnp.abs(pt - center) * wp1 - 0.5 * width * (wp1 - 1.0 / wp1)
        return jnp.where(inside, d_in, d_out)

    d_h = box_dist(bumped_h, rb_h, rd_h)
    d_t = box_dist(bumped_t, rb_t, rd_t)
    o_ref[...] = -(jnp.sqrt(jnp.sum(d_h * d_h, axis=1))
                   + jnp.sqrt(jnp.sum(d_t * d_t, axis=1)))


def _tc_math(hp, tp, hb, tb, rc, hm, tm, interpret=False):
    bw = 2048
    grid = (BATCH // bw,)
    row_spec = pl.BlockSpec((bw, ROW), lambda i: (i, 0))
    m_spec = pl.BlockSpec((bw, 1), lambda i: (i, 0))
    return pl.pallas_call(
        _tc_math_kernel,
        grid=grid,
        in_specs=[row_spec, row_spec, row_spec, row_spec, row_spec,
                  m_spec, m_spec],
        out_specs=pl.BlockSpec((bw,), lambda i: (i,)),
        out_shape=jax.ShapeDtypeStruct((BATCH,), jnp.float32),
        interpret=interpret,
    )(hp, tp, hb, tb, rc, hm, tm)


def kernel(entity_points, entity_bumps, rel_bases, rel_shapes, scale_mult,
           heads, tails, rels):
    nrel = rel_bases.shape[0]
    ep4, eb4 = _tpack(entity_points.T, entity_bumps.T)
    relp = _rel_pack(rel_bases.reshape(nrel, 2 * DIM),
                     rel_shapes.reshape(nrel, 2 * DIM),
                     scale_mult.reshape(nrel, 2))
    q = TBLK // PACK
    hh = ((heads // TBLK) * q + heads % q).reshape(NW, NCHUNK, CHUNK)
    tt = ((tails // TBLK) * q + tails % q).reshape(NW, NCHUNK, CHUNK)
    rr = rels.reshape(NW, NCHUNK, CHUNK)
    hm = ((heads // q) % PACK).reshape(BATCH, 1)
    tm = ((tails // q) % PACK).reshape(BATCH, 1)
    hp, tp, hb, tb, rc = _sc_gather(ep4, eb4, relp, hh, tt, rr)
    return _tc_math(hp, tp, hb, tb, rc, hm, tm)

# --- scband reference (transcript-rebuilt; emitter-appended) ---
"""Pipeline reference for scband-my-box-e-89893665506110 (READ-ONLY COPY).

The authoritative reference and input builder live on the scoring server;
editing this copy changes nothing except your own understanding.
"""

import jax, jax.numpy as jnp
import numpy as np

ENTITIES = 1000000
RELATIONS = 1000
ARITY = 2
DIM = 32
BATCH = 16384
SANITY_EPS = 1e-08


def product_normalise(input_tensor):
    # bounded_norm=False branch of BoxE product normalisation
    step1 = jnp.abs(input_tensor)
    step2 = step1 + SANITY_EPS
    log_norm = jnp.log(step2)
    step3 = jnp.mean(log_norm, axis=2, keepdims=True)
    norm_volume = jnp.exp(step3)
    return input_tensor / norm_volume


def box_dist(pt, base, delta):
    # BoxE distance function
    w = jnp.abs(delta)
    low = base - 0.5 * w
    high = base + 0.5 * w
    center = 0.5 * (low + high)
    width = high - low
    wp1 = width + 1.0
    inside = jnp.logical_and(pt >= low, pt <= high)
    d_in = jnp.abs(pt - center) / wp1
    d_out = jnp.abs(pt - center) * wp1 - 0.5 * width * (wp1 - 1.0 / wp1)
    return jnp.where(inside, d_in, d_out)


def setup_inputs(seed: int = 0) -> dict:
    key = jax.random.key(seed)
    ks = jax.random.split(key, 8)
    sqrt_dim = float(np.sqrt(DIM))
    u = 0.5 / sqrt_dim
    entity_points = jax.random.uniform(ks[0], (ENTITIES, DIM), minval=-u, maxval=u, dtype=jnp.float32)
    entity_bumps = jax.random.uniform(ks[1], (ENTITIES, DIM), minval=-u, maxval=u, dtype=jnp.float32)
    rel_bases = jax.random.uniform(ks[2], (RELATIONS, ARITY, DIM), minval=-u, maxval=u, dtype=jnp.float32)
    rel_shapes = jax.random.uniform(ks[3], (RELATIONS, ARITY, DIM), minval=-u, maxval=u, dtype=jnp.float32)
    scale_mult = jax.random.uniform(ks[4], (RELATIONS, ARITY, 1), minval=-1.0, maxval=1.0, dtype=jnp.float32)
    heads = jax.random.randint(ks[5], (BATCH,), 0, ENTITIES, dtype=jnp.int32)
    tails = jax.random.randint(ks[6], (BATCH,), 0, ENTITIES, dtype=jnp.int32)
    rels = jax.random.randint(ks[7], (BATCH,), 0, RELATIONS, dtype=jnp.int32)
    return {
        'entity_points': entity_points,
        'entity_bumps': entity_bumps,
        'rel_bases': rel_bases,
        'rel_shapes': rel_shapes,
        'scale_mult': scale_mult,
        'heads': heads,
        'tails': tails,
        'rels': rels,
    }


def reference(entity_points, entity_bumps, rel_bases, rel_shapes, scale_mult, heads, tails, rels):
    d = entity_points.shape[1]
    # add_padding: append a zero row (padding index = ENTITIES)
    ep = jnp.concatenate([entity_points, jnp.zeros((1, d), dtype=entity_points.dtype)], axis=0)
    # normed_bumps: L2-normalize bumps along embedding dim, then pad
    bump_norm = jnp.maximum(jnp.linalg.norm(entity_bumps, axis=1, keepdims=True), 1e-12)
    bn = entity_bumps / bump_norm
    bp = jnp.concatenate([bn, jnp.zeros((1, d), dtype=bn.dtype)], axis=0)
    # relation box construction (learnable_shape, not fixed_width, not hard_total_size)
    norm_rel_shapes = product_normalise(rel_shapes)
    sm = jax.nn.elu(scale_mult) + 1.0
    rel_deltas = sm * norm_rel_shapes
    # embedding lookups (SparseCore gathers)
    h_pt = jnp.take(ep, heads, axis=0)
    t_pt = jnp.take(ep, tails, axis=0)
    h_bump = jnp.take(bp, heads, axis=0)
    t_bump = jnp.take(bp, tails, axis=0)
    # bump mechanism of BoxE
    bumped_h = h_pt + t_bump
    bumped_t = t_pt + h_bump
    rb = jnp.take(rel_bases, rels, axis=0)  # [B, 2, D]
    rd = jnp.take(rel_deltas, rels, axis=0)  # [B, 2, D]
    d_h = box_dist(bumped_h, rb[:, 0, :], rd[:, 0, :])
    d_t = box_dist(bumped_t, rb[:, 1, :], rd[:, 1, :])
    score = -(jnp.linalg.norm(d_h, axis=1) + jnp.linalg.norm(d_t, axis=1))
    return score

if __name__ == "__main__":
    import jax
    _d = setup_inputs()
    print(jax.jit(kernel)(*tuple(_d.values())))

</pallas_src>

<mosaic_0001>
#map = affine_map<(d0, d1) -> (0, 0)>
#map1 = affine_map<(d0, d1) -> (0, 0, 0)>
module attributes {stable_mosaic.version = 14 : i64} {
  func.func @_sc_gather_kernel(%arg0: i32, %arg1: i32, %arg2: memref<251904x128xf32, #tpu.memory_space<hbm>>, %arg3: memref<251904x128xf32, #tpu.memory_space<hbm>>, %arg4: memref<1000x128xf32, #tpu.memory_space<hbm>>, %arg5: memref<32x4x128xi32, #tpu.memory_space<hbm>>, %arg6: memref<32x4x128xi32, #tpu.memory_space<hbm>>, %arg7: memref<32x4x128xi32, #tpu.memory_space<hbm>>, %arg8: memref<16384x128xf32, #tpu.memory_space<hbm>>, %arg9: memref<16384x128xf32, #tpu.memory_space<hbm>>, %arg10: memref<16384x128xf32, #tpu.memory_space<hbm>>, %arg11: memref<16384x128xf32, #tpu.memory_space<hbm>>, %arg12: memref<16384x128xf32, #tpu.memory_space<hbm>>, %arg13: memref<4x128xi32, #tpu.memory_space<vmem>>, %arg14: memref<4x128xi32, #tpu.memory_space<vmem>>, %arg15: memref<4x128xi32, #tpu.memory_space<vmem>>, %arg16: memref<128x128xf32, #tpu.memory_space<vmem>>, %arg17: memref<128x128xf32, #tpu.memory_space<vmem>>, %arg18: memref<!tpu.dma_semaphore, #tpu.memory_space<semaphore_mem>>, %arg19: memref<!tpu.dma_semaphore, #tpu.memory_space<semaphore_mem>>, %arg20: memref<!tpu.dma_semaphore, #tpu.memory_space<semaphore_mem>>, %arg21: memref<!tpu.dma_semaphore, #tpu.memory_space<semaphore_mem>>) attributes {dimension_semantics = [#tpu.dimension_semantics<core_parallel>, #tpu.dimension_semantics<subcore_parallel>], iteration_bounds = array<i64: 2, 16>, scalar_prefetch = 0 : i64, scratch_operands = 9 : i64, tpu.core_type = #tpu.core_type<sc_vector_subcore>, window_params = [{transform_indices = #map}, {transform_indices = #map}, {transform_indices = #map}, {transform_indices = #map1}, {transform_indices = #map1}, {transform_indices = #map1}, {transform_indices = #map}, {transform_indices = #map}, {transform_indices = #map}, {transform_indices = #map}, {transform_indices = #map}]} {
    %mul3A = arith.constant 2 : i32
    %mul3A_0 = arith.muli %arg1, %mul3A : i32
    %add3A = arith.addi %mul3A_0, %arg0 : i32
    %mul3A_1 = arith.constant 512 : i32
    %mul3A_2 = arith.muli %add3A, %mul3A_1 : i32
    "tpu.region"() ({
      %run_scoped3A = tpu.sem_alloc : memref<!tpu.dma_semaphore, #tpu.memory_space<semaphore_mem>>
      %dma_start3A_481 = arith.constant 0 : i32
      %dma_start3A_482 = arith.constant 0 : i32
      %dma_start3A_483 = tpu.memref_slice %arg5[%add3A, %dma_start3A_481, %dma_start3A_482] : memref<32x4x128xi32, #tpu.memory_space<hbm>> -> memref<1x4x128xi32, #tpu.memory_space<hbm>>
      %dma_start3A_484 = tpu.memref_squeeze %dma_start3A_483 : memref<1x4x128xi32, #tpu.memory_space<hbm>> -> memref<4x128xi32, #tpu.memory_space<hbm>>
      %dma_start3A_485 = arith.constant 0 : i32
      %dma_start3A_486 = arith.constant 0 : i32
      %dma_start3A_487 = tpu.memref_slice %arg5[%add3A, %dma_start3A_485, %dma_start3A_486] : memref<32x4x128xi32, #tpu.memory_space<hbm>> -> memref<1x4x128xi32, #tpu.memory_space<hbm>>
      %dma_start3A_488 = tpu.memref_squeeze %dma_start3A_487 : memref<1x4x128xi32, #tpu.memory_space<hbm>> -> memref<4x128xi32, #tpu.memory_space<hbm>>
      tpu.enqueue_dma source(%dma_start3A_488 : memref<4x128xi32, #tpu.memory_space<hbm>>) target(%arg13 : memref<4x128xi32, #tpu.memory_space<vmem>>) target_semaphore(%run_scoped3A : memref<!tpu.dma_semaphore, #tpu.memory_space<semaphore_mem>>)
      %dma_wait3A_489 = arith.constant 0 : i32
      %dma_wait3A_490 = arith.constant 0 : i32
      %dma_wait3A_491 = tpu.memref_slice %arg5[%add3A, %dma_wait3A_489, %dma_wait3A_490] : memref<32x4x128xi32, #tpu.memory_space<hbm>> -> memref<1x4x128xi32, #tpu.memory_space<hbm>>
      %dma_wait3A_492 = tpu.memref_squeeze %dma_wait3A_491 : memref<1x4x128xi32, #tpu.memory_space<hbm>> -> memref<4x128xi32, #tpu.memory_space<hbm>>
      %dma_wait3A_493 = arith.constant 0 : i32
      %dma_wait3A_494 = arith.constant 0 : i32
      %dma_wait3A_495 = tpu.memref_slice %arg5[%add3A, %dma_wait3A_493, %dma_wait3A_494] : memref<32x4x128xi32, #tpu.memory_space<hbm>> -> memref<1x4x128xi32, #tpu.memory_space<hbm>>
      %dma_wait3A_496 = tpu.memref_squeeze %dma_wait3A_495 : memref<1x4x128xi32, #tpu.memory_space<hbm>> -> memref<4x128xi32, #tpu.memory_space<hbm>>
      tpu.wait_dma2 semaphore(%run_scoped3A : memref<!tpu.dma_semaphore, #tpu.memory_space<semaphore_mem>>) src(%dma_wait3A_496 : memref<4x128xi32, #tpu.memory_space<hbm>>) dst(%arg13 : memref<4x128xi32, #tpu.memory_space<vmem>>)
      tpu.yield
    }) : () -> ()
    "tpu.region"() ({
      %run_scoped3A = tpu.sem_alloc : memref<!tpu.dma_semaphore, #tpu.memory_space<semaphore_mem>>
      %dma_start3A_481 = arith.constant 0 : i32
      %dma_start3A_482 = arith.constant 0 : i32
      %dma_start3A_483 = tpu.memref_slice %arg6[%add3A, %dma_start3A_481, %dma_start3A_482] : memref<32x4x128xi32, #tpu.memory_space<hbm>> -> memref<1x4x128xi32, #tpu.memory_space<hbm>>
      %dma_start3A_484 = tpu.memref_squeeze %dma_start3A_483 : memref<1x4x128xi32, #tpu.memory_space<hbm>> -> memref<4x128xi32, #tpu.memory_space<hbm>>
      %dma_start3A_485 = arith.constant 0 : i32
      %dma_start3A_486 = arith.constant 0 : i32
      %dma_start3A_487 = tpu.memref_slice %arg6[%add3A, %dma_start3A_485, %dma_start3A_486] : memref<32x4x128xi32, #tpu.memory_space<hbm>> -> memref<1x4x128xi32, #tpu.memory_space<hbm>>
      %dma_start3A_488 = tpu.memref_squeeze %dma_start3A_487 : memref<1x4x128xi32, #tpu.memory_space<hbm>> -> memref<4x128xi32, #tpu.memory_space<hbm>>
      tpu.enqueue_dma source(%dma_start3A_488 : memref<4x128xi32, #tpu.memory_space<hbm>>) target(%arg14 : memref<4x128xi32, #tpu.memory_space<vmem>>) target_semaphore(%run_scoped3A : memref<!tpu.dma_semaphore, #tpu.memory_space<semaphore_mem>>)
      %dma_wait3A_489 = arith.constant 0 : i32
      %dma_wait3A_490 = arith.constant 0 : i32
      %dma_wait3A_491 = tpu.memref_slice %arg6[%add3A, %dma_wait3A_489, %dma_wait3A_490] : memref<32x4x128xi32, #tpu.memory_space<hbm>> -> memref<1x4x128xi32, #tpu.memory_space<hbm>>
      %dma_wait3A_492 = tpu.memref_squeeze %dma_wait3A_491 : memref<1x4x128xi32, #tpu.memory_space<hbm>> -> memref<4x128xi32, #tpu.memory_space<hbm>>
      %dma_wait3A_493 = arith.constant 0 : i32
      %dma_wait3A_494 = arith.constant 0 : i32
      %dma_wait3A_495 = tpu.memref_slice %arg6[%add3A, %dma_wait3A_493, %dma_wait3A_494] : memref<32x4x128xi32, #tpu.memory_space<hbm>> -> memref<1x4x128xi32, #tpu.memory_space<hbm>>
      %dma_wait3A_496 = tpu.memref_squeeze %dma_wait3A_495 : memref<1x4x128xi32, #tpu.memory_space<hbm>> -> memref<4x128xi32, #tpu.memory_space<hbm>>
      tpu.wait_dma2 semaphore(%run_scoped3A : memref<!tpu.dma_semaphore, #tpu.memory_space<semaphore_mem>>) src(%dma_wait3A_496 : memref<4x128xi32, #tpu.memory_space<hbm>>) dst(%arg14 : memref<4x128xi32, #tpu.memory_space<vmem>>)
      tpu.yield
    }) : () -> ()
    "tpu.region"() ({
      %run_scoped3A = tpu.sem_alloc : memref<!tpu.dma_semaphore, #tpu.memory_space<semaphore_mem>>
      %dma_start3A_481 = arith.constant 0 : i32
      %dma_start3A_482 = arith.constant 0 : i32
      %dma_start3A_483 = tpu.memref_slice %arg7[%add3A, %dma_start3A_481, %dma_start3A_482] : memref<32x4x128xi32, #tpu.memory_space<hbm>> -> memref<1x4x128xi32, #tpu.memory_space<hbm>>
      %dma_start3A_484 = tpu.memref_squeeze %dma_start3A_483 : memref<1x4x128xi32, #tpu.memory_space<hbm>> -> memref<4x128xi32, #tpu.memory_space<hbm>>
      %dma_start3A_485 = arith.constant 0 : i32
      %dma_start3A_486 = arith.constant 0 : i32
      %dma_start3A_487 = tpu.memref_slice %arg7[%add3A, %dma_start3A_485, %dma_start3A_486] : memref<32x4x128xi32, #tpu.memory_space<hbm>> -> memref<1x4x128xi32, #tpu.memory_space<hbm>>
      %dma_start3A_488 = tpu.memref_squeeze %dma_start3A_487 : memref<1x4x128xi32, #tpu.memory_space<hbm>> -> memref<4x128xi32, #tpu.memory_space<hbm>>
      tpu.enqueue_dma source(%dma_start3A_488 : memref<4x128xi32, #tpu.memory_space<hbm>>) target(%arg15 : memref<4x128xi32, #tpu.memory_space<vmem>>) target_semaphore(%run_scoped3A : memref<!tpu.dma_semaphore, #tpu.memory_space<semaphore_mem>>)
      %dma_wait3A_489 = arith.constant 0 : i32
      %dma_wait3A_490 = arith.constant 0 : i32
      %dma_wait3A_491 = tpu.memref_slice %arg7[%add3A, %dma_wait3A_489, %dma_wait3A_490] : memref<32x4x128xi32, #tpu.memory_space<hbm>> -> memref<1x4x128xi32, #tpu.memory_space<hbm>>
      %dma_wait3A_492 = tpu.memref_squeeze %dma_wait3A_491 : memref<1x4x128xi32, #tpu.memory_space<hbm>> -> memref<4x128xi32, #tpu.memory_space<hbm>>
      %dma_wait3A_493 = arith.constant 0 : i32
      %dma_wait3A_494 = arith.constant 0 : i32
      %dma_wait3A_495 = tpu.memref_slice %arg7[%add3A, %dma_wait3A_493, %dma_wait3A_494] : memref<32x4x128xi32, #tpu.memory_space<hbm>> -> memref<1x4x128xi32, #tpu.memory_space<hbm>>
      %dma_wait3A_496 = tpu.memref_squeeze %dma_wait3A_495 : memref<1x4x128xi32, #tpu.memory_space<hbm>> -> memref<4x128xi32, #tpu.memory_space<hbm>>
      tpu.wait_dma2 semaphore(%run_scoped3A : memref<!tpu.dma_semaphore, #tpu.memory_space<semaphore_mem>>) src(%dma_wait3A_496 : memref<4x128xi32, #tpu.memory_space<hbm>>) dst(%arg15 : memref<4x128xi32, #tpu.memory_space<vmem>>)
      tpu.yield
    }) : () -> ()
    %dma_start3A = arith.constant 0 : i32
    %dma_start3A_3 = arith.constant 0 : i32
    %dma_start3A_4 = tpu.memref_slice %arg13[%dma_start3A, %dma_start3A_3] : memref<4x128xi32, #tpu.memory_space<vmem>> -> memref<1x128xi32, #tpu.memory_space<vmem>>
    %dma_start3A_5 = tpu.memref_squeeze %dma_start3A_4 : memref<1x128xi32, #tpu.memory_space<vmem>> -> memref<128xi32, #tpu.memory_space<vmem>>
    %dma_start3A_6 = arith.constant 0 : i32
    %dma_start3A_7 = arith.constant 0 : i32
    %dma_start3A_8 = tpu.memref_slice %arg2[%dma_start3A_6, %dma_start3A_7] : memref<251904x128xf32, #tpu.memory_space<hbm>> -> memref<251904x128xf32, #tpu.memory_space<hbm>>
    tpu.enqueue_indirect_dma source(%dma_start3A_8 : memref<251904x128xf32, #tpu.memory_space<hbm>>) target(%arg16 : memref<128x128xf32, #tpu.memory_space<vmem>>) offsets(%dma_start3A_5 : memref<128xi32, #tpu.memory_space<vmem>>) semaphore(%arg18 : memref<!tpu.dma_semaphore, #tpu.memory_space<semaphore_mem>>)
    %dma_start3A_9 = arith.constant 1 : i32
    %dma_start3A_10 = arith.constant 0 : i32
    %dma_start3A_11 = tpu.memref_slice %arg13[%dma_start3A_9, %dma_start3A_10] : memref<4x128xi32, #tpu.memory_space<vmem>> -> memref<1x128xi32, #tpu.memory_space<vmem>>
    %dma_start3A_12 = tpu.memref_squeeze %dma_start3A_11 : memref<1x128xi32, #tpu.memory_space<vmem>> -> memref<128xi32, #tpu.memory_space<vmem>>
    %dma_start3A_13 = arith.constant 0 : i32
    %dma_start3A_14 = arith.constant 0 : i32
    %dma_start3A_15 = tpu.memref_slice %arg2[%dma_start3A_13, %dma_start3A_14] : memref<251904x128xf32, #tpu.memory_space<hbm>> -> memref<251904x128xf32, #tpu.memory_space<hbm>>
    tpu.enqueue_indirect_dma source(%dma_start3A_15 : memref<251904x128xf32, #tpu.memory_space<hbm>>) target(%arg17 : memref<128x128xf32, #tpu.memory_space<vmem>>) offsets(%dma_start3A_12 : memref<128xi32, #tpu.memory_space<vmem>>) semaphore(%arg19 : memref<!tpu.dma_semaphore, #tpu.memory_space<semaphore_mem>>)
    %dma_wait3A = arith.constant 0 : i32
    %dma_wait3A_16 = arith.constant 0 : i32
    %dma_wait3A_17 = tpu.memref_slice %arg13[%dma_wait3A, %dma_wait3A_16] : memref<4x128xi32, #tpu.memory_space<vmem>> -> memref<1x128xi32, #tpu.memory_space<vmem>>
    %dma_wait3A_18 = tpu.memref_squeeze %dma_wait3A_17 : memref<1x128xi32, #tpu.memory_space<vmem>> -> memref<128xi32, #tpu.memory_space<vmem>>
    %dma_wait3A_19 = arith.constant 0 : i32
    %dma_wait3A_20 = arith.constant 0 : i32
    %dma_wait3A_21 = tpu.memref_slice %arg2[%dma_wait3A_19, %dma_wait3A_20] : memref<251904x128xf32, #tpu.memory_space<hbm>> -> memref<251904x128xf32, #tpu.memory_space<hbm>>
    tpu.wait_indirect_dma semaphore(%arg18 : memref<!tpu.dma_semaphore, #tpu.memory_space<semaphore_mem>>) src(%dma_wait3A_21 : memref<251904x128xf32, #tpu.memory_space<hbm>>) dst(%arg16 : memref<128x128xf32, #tpu.memory_space<vmem>>)
    %add3A_22 = arith.constant 0 : i32
    %add3A_23 = arith.addi %mul3A_2, %add3A_22 : i32
    %dma_start3A_24 = arith.constant 0 : i32
    %dma_start3A_25 = tpu.memref_slice %arg8[%add3A_23, %dma_start3A_24] : memref<16384x128xf32, #tpu.memory_space<hbm>> -> memref<128x128xf32, #tpu.memory_space<hbm>>
    %dma_start3A_26 = arith.constant 0 : i32
    %dma_start3A_27 = tpu.memref_slice %arg8[%add3A_23, %dma_start3A_26] : memref<16384x128xf32, #tpu.memory_space<hbm>> -> memref<128x128xf32, #tpu.memory_space<hbm>>
    tpu.enqueue_dma source(%arg16 : memref<128x128xf32, #tpu.memory_space<vmem>>) target(%dma_start3A_27 : memref<128x128xf32, #tpu.memory_space<hbm>>) target_semaphore(%arg20 : memref<!tpu.dma_semaphore, #tpu.memory_space<semaphore_mem>>)
    %dma_wait3A_28 = arith.constant 0 : i32
    %dma_wait3A_29 = tpu.memref_slice %arg8[%add3A_23, %dma_wait3A_28] : memref<16384x128xf32, #tpu.memory_space<hbm>> -> memref<128x128xf32, #tpu.memory_space<hbm>>
    %dma_wait3A_30 = arith.constant 0 : i32
    %dma_wait3A_31 = tpu.memref_slice %arg8[%add3A_23, %dma_wait3A_30] : memref<16384x128xf32, #tpu.memory_space<hbm>> -> memref<128x128xf32, #tpu.memory_space<hbm>>
    tpu.wait_dma2 semaphore(%arg20 : memref<!tpu.dma_semaphore, #tpu.memory_space<semaphore_mem>>) src(%arg16 : memref<128x128xf32, #tpu.memory_space<vmem>>) dst(%dma_wait3A_31 : memref<128x128xf32, #tpu.memory_space<hbm>>)
    %dma_start3A_32 = arith.constant 2 : i32
    %dma_start3A_33 = arith.constant 0 : i32
    %dma_start3A_34 = tpu.memref_slice %arg13[%dma_start3A_32, %dma_start3A_33] : memref<4x128xi32, #tpu.memory_space<vmem>> -> memref<1x128xi32, #tpu.memory_space<vmem>>
    %dma_start3A_35 = tpu.memref_squeeze %dma_start3A_34 : memref<1x128xi32, #tpu.memory_space<vmem>> -> memref<128xi32, #tpu.memory_space<vmem>>
    %dma_start3A_36 = arith.constant 0 : i32
    %dma_start3A_37 = arith.constant 0 : i32
    %dma_start3A_38 = tpu.memref_slice %arg2[%dma_start3A_36, %dma_start3A_37] : memref<251904x128xf32, #tpu.memory_space<hbm>> -> memref<251904x128xf32, #tpu.memory_space<hbm>>
    tpu.enqueue_indirect_dma source(%dma_start3A_38 : memref<251904x128xf32, #tpu.memory_space<hbm>>) target(%arg16 : memref<128x128xf32, #tpu.memory_space<vmem>>) offsets(%dma_start3A_35 : memref<128xi32, #tpu.memory_space<vmem>>) semaphore(%arg18 : memref<!tpu.dma_semaphore, #tpu.memory_space<semaphore_mem>>)
    %dma_wait3A_39 = arith.constant 1 : i32
    %dma_wait3A_40 = arith.constant 0 : i32
    %dma_wait3A_41 = tpu.memref_slice %arg13[%dma_wait3A_39, %dma_wait3A_40] : memref<4x128xi32, #tpu.memory_space<vmem>> -> memref<1x128xi32, #tpu.memory_space<vmem>>
    %dma_wait3A_42 = tpu.memref_squeeze %dma_wait3A_41 : memref<1x128xi32, #tpu.memory_space<vmem>> -> memref<128xi32, #tpu.memory_space<vmem>>
    %dma_wait3A_43 = arith.constant 0 : i32
    %dma_wait3A_44 = arith.constant 0 : i32
    %dma_wait3A_45 = tpu.memref_slice %arg2[%dma_wait3A_43, %dma_wait3A_44] : memref<251904x128xf32, #tpu.memory_space<hbm>> -> memref<251904x128xf32, #tpu.memory_space<hbm>>
    tpu.wait_indirect_dma semaphore(%arg19 : memref<!tpu.dma_semaphore, #tpu.memory_space<semaphore_mem>>) src(%dma_wait3A_45 : memref<251904x128xf32, #tpu.memory_space<hbm>>) dst(%arg17 : memref<128x128xf32, #tpu.memory_space<vmem>>)
    %add3A_46 = arith.constant 128 : i32
    %add3A_47 = arith.addi %mul3A_2, %add3A_46 : i32
    %dma_start3A_48 = arith.constant 0 : i32
    %dma_start3A_49 = tpu.memref_slice %arg8[%add3A_47, %dma_start3A_48] : memref<16384x128xf32, #tpu.memory_space<hbm>> -> memref<128x128xf32, #tpu.memory_space<hbm>>
    %dma_start3A_50 = arith.constant 0 : i32
    %dma_start3A_51 = tpu.memref_slice %arg8[%add3A_47, %dma_start3A_50] : memref<16384x128xf32, #tpu.memory_space<hbm>> -> memref<128x128xf32, #tpu.memory_space<hbm>>
    tpu.enqueue_dma source(%arg17 : memref<128x128xf32, #tpu.memory_space<vmem>>) target(%dma_start3A_51 : memref<128x128xf32, #tpu.memory_space<hbm>>) target_semaphore(%arg21 : memref<!tpu.dma_semaphore, #tpu.memory_space<semaphore_mem>>)
    %dma_wait3A_52 = arith.constant 0 : i32
    %dma_wait3A_53 = tpu.memref_slice %arg8[%add3A_47, %dma_wait3A_52] : memref<16384x128xf32, #tpu.memory_space<hbm>> -> memref<128x128xf32, #tpu.memory_space<hbm>>
    %dma_wait3A_54 = arith.constant 0 : i32
    %dma_wait3A_55 = tpu.memref_slice %arg8[%add3A_47, %dma_wait3A_54] : memref<16384x128xf32, #tpu.memory_space<hbm>> -> memref<128x128xf32, #tpu.memory_space<hbm>>
    tpu.wait_dma2 semaphore(%arg21 : memref<!tpu.dma_semaphore, #tpu.memory_space<semaphore_mem>>) src(%arg17 : memref<128x128xf32, #tpu.memory_space<vmem>>) dst(%dma_wait3A_55 : memref<128x128xf32, #tpu.memory_space<hbm>>)
    %dma_start3A_56 = arith.constant 3 : i32
    %dma_start3A_57 = arith.constant 0 : i32
    %dma_start3A_58 = tpu.memref_slice %arg13[%dma_start3A_56, %dma_start3A_57] : memref<4x128xi32, #tpu.memory_space<vmem>> -> memref<1x128xi32, #tpu.memory_space<vmem>>
    %dma_start3A_59 = tpu.memref_squeeze %dma_start3A_58 : memref<1x128xi32, #tpu.memory_space<vmem>> -> memref<128xi32, #tpu.memory_space<vmem>>
    %dma_start3A_60 = arith.constant 0 : i32
    %dma_start3A_61 = arith.constant 0 : i32
    %dma_start3A_62 = tpu.memref_slice %arg2[%dma_start3A_60, %dma_start3A_61] : memref<251904x128xf32, #tpu.memory_space<hbm>> -> memref<251904x128xf32, #tpu.memory_space<hbm>>
    tpu.enqueue_indirect_dma source(%dma_start3A_62 : memref<251904x128xf32, #tpu.memory_space<hbm>>) target(%arg17 : memref<128x128xf32, #tpu.memory_space<vmem>>) offsets(%dma_start3A_59 : memref<128xi32, #tpu.memory_space<vmem>>) semaphore(%arg19 : memref<!tpu.dma_semaphore, #tpu.memory_space<semaphore_mem>>)
    %dma_wait3A_63 = arith.constant 2 : i32
    %dma_wait3A_64 = arith.constant 0 : i32
    %dma_wait3A_65 = tpu.memref_slice %arg13[%dma_wait3A_63, %dma_wait3A_64] : memref<4x128xi32, #tpu.memory_space<vmem>> -> memref<1x128xi32, #tpu.memory_space<vmem>>
    %dma_wait3A_66 = tpu.memref_squeeze %dma_wait3A_65 : memref<1x128xi32, #tpu.memory_space<vmem>> -> memref<128xi32, #tpu.memory_space<vmem>>
    %dma_wait3A_67 = arith.constant 0 : i32
    %dma_wait3A_68 = arith.constant 0 : i32
    %dma_wait3A_69 = tpu.memref_slice %arg2[%dma_wait3A_67, %dma_wait3A_68] : memref<251904x128xf32, #tpu.memory_space<hbm>> -> memref<251904x128xf32, #tpu.memory_space<hbm>>
    tpu.wait_indirect_dma semaphore(%arg18 : memref<!tpu.dma_semaphore, #tpu.memory_space<semaphore_mem>>) src(%dma_wait3A_69 : memref<251904x128xf32, #tpu.memory_space<hbm>>) dst(%arg16 : memref<128x128xf32, #tpu.memory_space<vmem>>)
    %add3A_70 = arith.constant 256 : i32
    %add3A_71 = arith.addi %mul3A_2, %add3A_70 : i32
    %dma_start3A_72 = arith.constant 0 : i32
    %dma_start3A_73 = tpu.memref_slice %arg8[%add3A_71, %dma_start3A_72] : memref<16384x128xf32, #tpu.memory_space<hbm>> -> memref<128x128xf32, #tpu.memory_space<hbm>>
    %dma_start3A_74 = arith.constant 0 : i32
    %dma_start3A_75 = tpu.memref_slice %arg8[%add3A_71, %dma_start3A_74] : memref<16384x128xf32, #tpu.memory_space<hbm>> -> memref<128x128xf32, #tpu.memory_space<hbm>>
    tpu.enqueue_dma source(%arg16 : memref<128x128xf32, #tpu.memory_space<vmem>>) target(%dma_start3A_75 : memref<128x128xf32, #tpu.memory_space<hbm>>) target_semaphore(%arg20 : memref<!tpu.dma_semaphore, #tpu.memory_space<semaphore_mem>>)
    %dma_wait3A_76 = arith.constant 0 : i32
    %dma_wait3A_77 = tpu.memref_slice %arg8[%add3A_71, %dma_wait3A_76] : memref<16384x128xf32, #tpu.memory_space<hbm>> -> memref<128x128xf32, #tpu.memory_space<hbm>>
    %dma_wait3A_78 = arith.constant 0 : i32
    %dma_wait3A_79 = tpu.memref_slice %arg8[%add3A_71, %dma_wait3A_78] : memref<16384x128xf32, #tpu.memory_space<hbm>> -> memref<128x128xf32, #tpu.memory_space<hbm>>
    tpu.wait_dma2 semaphore(%arg20 : memref<!tpu.dma_semaphore, #tpu.memory_space<semaphore_mem>>) src(%arg16 : memref<128x128xf32, #tpu.memory_space<vmem>>) dst(%dma_wait3A_79 : memref<128x128xf32, #tpu.memory_space<hbm>>)
    %dma_start3A_80 = arith.constant 0 : i32
    %dma_start3A_81 = arith.constant 0 : i32
    %dma_start3A_82 = tpu.memref_slice %arg14[%dma_start3A_80, %dma_start3A_81] : memref<4x128xi32, #tpu.memory_space<vmem>> -> memref<1x128xi32, #tpu.memory_space<vmem>>
    %dma_start3A_83 = tpu.memref_squeeze %dma_start3A_82 : memref<1x128xi32, #tpu.memory_space<vmem>> -> memref<128xi32, #tpu.memory_space<vmem>>
    %dma_start3A_84 = arith.constant 0 : i32
    %dma_start3A_85 = arith.constant 0 : i32
    %dma_start3A_86 = tpu.memref_slice %arg2[%dma_start3A_84, %dma_start3A_85] : memref<251904x128xf32, #tpu.memory_space<hbm>> -> memref<251904x128xf32, #tpu.memory_space<hbm>>
    tpu.enqueue_indirect_dma source(%dma_start3A_86 : memref<251904x128xf32, #tpu.memory_space<hbm>>) target(%arg16 : memref<128x128xf32, #tpu.memory_space<vmem>>) offsets(%dma_start3A_83 : memref<128xi32, #tpu.memory_space<vmem>>) semaphore(%arg18 : memref<!tpu.dma_semaphore, #tpu.memory_space<semaphore_mem>>)
    %dma_wait3A_87 = arith.constant 3 : i32
    %dma_wait3A_88 = arith.constant 0 : i32
    %dma_wait3A_89 = tpu.memref_slice %arg13[%dma_wait3A_87, %dma_wait3A_88] : memref<4x128xi32, #tpu.memory_space<vmem>> -> memref<1x128xi32, #tpu.memory_space<vmem>>
    %dma_wait3A_90 = tpu.memref_squeeze %dma_wait3A_89 : memref<1x128xi32, #tpu.memory_space<vmem>> -> memref<128xi32, #tpu.memory_space<vmem>>
    %dma_wait3A_91 = arith.constant 0 : i32
    %dma_wait3A_92 = arith.constant 0 : i32
    %dma_wait3A_93 = tpu.memref_slice %arg2[%dma_wait3A_91, %dma_wait3A_92] : memref<251904x128xf32, #tpu.memory_space<hbm>> -> memref<251904x128xf32, #tpu.memory_space<hbm>>
    tpu.wait_indirect_dma semaphore(%arg19 : memref<!tpu.dma_semaphore, #tpu.memory_space<semaphore_mem>>) src(%dma_wait3A_93 : memref<251904x128xf32, #tpu.memory_space<hbm>>) dst(%arg17 : memref<128x128xf32, #tpu.memory_space<vmem>>)
    %add3A_94 = arith.constant 384 : i32
    %add3A_95 = arith.addi %mul3A_2, %add3A_94 : i32
    %dma_start3A_96 = arith.constant 0 : i32
    %dma_start3A_97 = tpu.memref_slice %arg8[%add3A_95, %dma_start3A_96] : memref<16384x128xf32, #tpu.memory_space<hbm>> -> memref<128x128xf32, #tpu.memory_space<hbm>>
    %dma_start3A_98 = arith.constant 0 : i32
    %dma_start3A_99 = tpu.memref_slice %arg8[%add3A_95, %dma_start3A_98] : memref<16384x128xf32, #tpu.memory_space<hbm>> -> memref<128x128xf32, #tpu.memory_space<hbm>>
    tpu.enqueue_dma source(%arg17 : memref<128x128xf32, #tpu.memory_space<vmem>>) target(%dma_start3A_99 : memref<128x128xf32, #tpu.memory_space<hbm>>) target_semaphore(%arg21 : memref<!tpu.dma_semaphore, #tpu.memory_space<semaphore_mem>>)
    %dma_wait3A_100 = arith.constant 0 : i32
    %dma_wait3A_101 = tpu.memref_slice %arg8[%add3A_95, %dma_wait3A_100] : memref<16384x128xf32, #tpu.memory_space<hbm>> -> memref<128x128xf32, #tpu.memory_space<hbm>>
    %dma_wait3A_102 = arith.constant 0 : i32
    %dma_wait3A_103 = tpu.memref_slice %arg8[%add3A_95, %dma_wait3A_102] : memref<16384x128xf32, #tpu.memory_space<hbm>> -> memref<128x128xf32, #tpu.memory_space<hbm>>
    tpu.wait_dma2 semaphore(%arg21 : memref<!tpu.dma_semaphore, #tpu.memory_space<semaphore_mem>>) src(%arg17 : memref<128x128xf32, #tpu.memory_space<vmem>>) dst(%dma_wait3A_103 : memref<128x128xf32, #tpu.memory_space<hbm>>)
    %dma_start3A_104 = arith.constant 1 : i32
    %dma_start3A_105 = arith.constant 0 : i32
    %dma_start3A_106 = tpu.memref_slice %arg14[%dma_start3A_104, %dma_start3A_105] : memref<4x128xi32, #tpu.memory_space<vmem>> -> memref<1x128xi32, #tpu.memory_space<vmem>>
    %dma_start3A_107 = tpu.memref_squeeze %dma_start3A_106 : memref<1x128xi32, #tpu.memory_space<vmem>> -> memref<128xi32, #tpu.memory_space<vmem>>
    %dma_start3A_108 = arith.constant 0 : i32
    %dma_start3A_109 = arith.constant 0 : i32
    %dma_start3A_110 = tpu.memref_slice %arg2[%dma_start3A_108, %dma_start3A_109] : memref<251904x128xf32, #tpu.memory_space<hbm>> -> memref<251904x128xf32, #tpu.memory_space<hbm>>
    tpu.enqueue_indirect_dma source(%dma_start3A_110 : memref<251904x128xf32, #tpu.memory_space<hbm>>) target(%arg17 : memref<128x128xf32, #tpu.memory_space<vmem>>) offsets(%dma_start3A_107 : memref<128xi32, #tpu.memory_space<vmem>>) semaphore(%arg19 : memref<!tpu.dma_semaphore, #tpu.memory_space<semaphore_mem>>)
    %dma_wait3A_111 = arith.constant 0 : i32
    %dma_wait3A_112 = arith.constant 0 : i32
    %dma_wait3A_113 = tpu.memref_slice %arg14[%dma_wait3A_111, %dma_wait3A_112] : memref<4x128xi32, #tpu.memory_space<vmem>> -> memref<1x128xi32, #tpu.memory_space<vmem>>
    %dma_wait3A_114 = tpu.memref_squeeze %dma_wait3A_113 : memref<1x128xi32, #tpu.memory_space<vmem>> -> memref<128xi32, #tpu.memory_space<vmem>>
    %dma_wait3A_115 = arith.constant 0 : i32
    %dma_wait3A_116 = arith.constant 0 : i32
    %dma_wait3A_117 = tpu.memref_slice %arg2[%dma_wait3A_115, %dma_wait3A_116] : memref<251904x128xf32, #tpu.memory_space<hbm>> -> memref<251904x128xf32, #tpu.memory_space<hbm>>
    tpu.wait_indirect_dma semaphore(%arg18 : memref<!tpu.dma_semaphore, #tpu.memory_space<semaphore_mem>>) src(%dma_wait3A_117 : memref<251904x128xf32, #tpu.memory_space<hbm>>) dst(%arg16 : memref<128x128xf32, #tpu.memory_space<vmem>>)
    %add3A_118 = arith.constant 0 : i32
    %add3A_119 = arith.addi %mul3A_2, %add3A_118 : i32
    %dma_start3A_120 = arith.constant 0 : i32
    %dma_start3A_121 = tpu.memref_slice %arg9[%add3A_119, %dma_start3A_120] : memref<16384x128xf32, #tpu.memory_space<hbm>> -> memref<128x128xf32, #tpu.memory_space<hbm>>
    %dma_start3A_122 = arith.constant 0 : i32
    %dma_start3A_123 = tpu.memref_slice %arg9[%add3A_119, %dma_start3A_122] : memref<16384x128xf32, #tpu.memory_space<hbm>> -> memref<128x128xf32, #tpu.memory_space<hbm>>
    tpu.enqueue_dma source(%arg16 : memref<128x128xf32, #tpu.memory_space<vmem>>) target(%dma_start3A_123 : memref<128x128xf32, #tpu.memory_space<hbm>>) target_semaphore(%arg20 : memref<!tpu.dma_semaphore, #tpu.memory_space<semaphore_mem>>)
    %dma_wait3A_124 = arith.constant 0 : i32
    %dma_wait3A_125 = tpu.memref_slice %arg9[%add3A_119, %dma_wait3A_124] : memref<16384x128xf32, #tpu.memory_space<hbm>> -> memref<128x128xf32, #tpu.memory_space<hbm>>
    %dma_wait3A_126 = arith.constant 0 : i32
    %dma_wait3A_127 = tpu.memref_slice %arg9[%add3A_119, %dma_wait3A_126] : memref<16384x128xf32, #tpu.memory_space<hbm>> -> memref<128x128xf32, #tpu.memory_space<hbm>>
    tpu.wait_dma2 semaphore(%arg20 : memref<!tpu.dma_semaphore, #tpu.memory_space<semaphore_mem>>) src(%arg16 : memref<128x128xf32, #tpu.memory_space<vmem>>) dst(%dma_wait3A_127 : memref<128x128xf32, #tpu.memory_space<hbm>>)
    %dma_start3A_128 = arith.constant 2 : i32
    %dma_start3A_129 = arith.constant 0 : i32
    %dma_start3A_130 = tpu.memref_slice %arg14[%dma_start3A_128, %dma_start3A_129] : memref<4x128xi32, #tpu.memory_space<vmem>> -> memref<1x128xi32, #tpu.memory_space<vmem>>
    %dma_start3A_131 = tpu.memref_squeeze %dma_start3A_130 : memref<1x128xi32, #tpu.memory_space<vmem>> -> memref<128xi32, #tpu.memory_space<vmem>>
    %dma_start3A_132 = arith.constant 0 : i32
    %dma_start3A_133 = arith.constant 0 : i32
    %dma_start3A_134 = tpu.memref_slice %arg2[%dma_start3A_132, %dma_start3A_133] : memref<251904x128xf32, #tpu.memory_space<hbm>> -> memref<251904x128xf32, #tpu.memory_space<hbm>>
    tpu.enqueue_indirect_dma source(%dma_start3A_134 : memref<251904x128xf32, #tpu.memory_space<hbm>>) target(%arg16 : memref<128x128xf32, #tpu.memory_space<vmem>>) offsets(%dma_start3A_131 : memref<128xi32, #tpu.memory_space<vmem>>) semaphore(%arg18 : memref<!tpu.dma_semaphore, #tpu.memory_space<semaphore_mem>>)
    %dma_wait3A_135 = arith.constant 1 : i32
    %dma_wait3A_136 = arith.constant 0 : i32
    %dma_wait3A_137 = tpu.memref_slice %arg14[%dma_wait3A_135, %dma_wait3A_136] : memref<4x128xi32, #tpu.memory_space<vmem>> -> memref<1x128xi32, #tpu.memory_space<vmem>>
    %dma_wait3A_138 = tpu.memref_squeeze %dma_wait3A_137 : memref<1x128xi32, #tpu.memory_space<vmem>> -> memref<128xi32, #tpu.memory_space<vmem>>
    %dma_wait3A_139 = arith.constant 0 : i32
    %dma_wait3A_140 = arith.constant 0 : i32
    %dma_wait3A_141 = tpu.memref_slice %arg2[%dma_wait3A_139, %dma_wait3A_140] : memref<251904x128xf32, #tpu.memory_space<hbm>> -> memref<251904x128xf32, #tpu.memory_space<hbm>>
    tpu.wait_indirect_dma semaphore(%arg19 : memref<!tpu.dma_semaphore, #tpu.memory_space<semaphore_mem>>) src(%dma_wait3A_141 : memref<251904x128xf32, #tpu.memory_space<hbm>>) dst(%arg17 : memref<128x128xf32, #tpu.memory_space<vmem>>)
    %add3A_142 = arith.constant 128 : i32
    %add3A_143 = arith.addi %mul3A_2, %add3A_142 : i32
    %dma_start3A_144 = arith.constant 0 : i32
    %dma_start3A_145 = tpu.memref_slice %arg9[%add3A_143, %dma_start3A_144] : memref<16384x128xf32, #tpu.memory_space<hbm>> -> memref<128x128xf32, #tpu.memory_space<hbm>>
    %dma_start3A_146 = arith.constant 0 : i32
    %dma_start3A_147 = tpu.memref_slice %arg9[%add3A_143, %dma_start3A_146] : memref<16384x128xf32, #tpu.memory_space<hbm>> -> memref<128x128xf32, #tpu.memory_space<hbm>>
    tpu.enqueue_dma source(%arg17 : memref<128x128xf32, #tpu.memory_space<vmem>>) target(%dma_start3A_147 : memref<128x128xf32, #tpu.memory_space<hbm>>) target_semaphore(%arg21 : memref<!tpu.dma_semaphore, #tpu.memory_space<semaphore_mem>>)
    %dma_wait3A_148 = arith.constant 0 : i32
    %dma_wait3A_149 = tpu.memref_slice %arg9[%add3A_143, %dma_wait3A_148] : memref<16384x128xf32, #tpu.memory_space<hbm>> -> memref<128x128xf32, #tpu.memory_space<hbm>>
    %dma_wait3A_150 = arith.constant 0 : i32
    %dma_wait3A_151 = tpu.memref_slice %arg9[%add3A_143, %dma_wait3A_150] : memref<16384x128xf32, #tpu.memory_space<hbm>> -> memref<128x128xf32, #tpu.memory_space<hbm>>
    tpu.wait_dma2 semaphore(%arg21 : memref<!tpu.dma_semaphore, #tpu.memory_space<semaphore_mem>>) src(%arg17 : memref<128x128xf32, #tpu.memory_space<vmem>>) dst(%dma_wait3A_151 : memref<128x128xf32, #tpu.memory_space<hbm>>)
    %dma_start3A_152 = arith.constant 3 : i32
    %dma_start3A_153 = arith.constant 0 : i32
    %dma_start3A_154 = tpu.memref_slice %arg14[%dma_start3A_152, %dma_start3A_153] : memref<4x128xi32, #tpu.memory_space<vmem>> -> memref<1x128xi32, #tpu.memory_space<vmem>>
    %dma_start3A_155 = tpu.memref_squeeze %dma_start3A_154 : memref<1x128xi32, #tpu.memory_space<vmem>> -> memref<128xi32, #tpu.memory_space<vmem>>
    %dma_start3A_156 = arith.constant 0 : i32
    %dma_start3A_157 = arith.constant 0 : i32
    %dma_start3A_158 = tpu.memref_slice %arg2[%dma_start3A_156, %dma_start3A_157] : memref<251904x128xf32, #tpu.memory_space<hbm>> -> memref<251904x128xf32, #tpu.memory_space<hbm>>
    tpu.enqueue_indirect_dma source(%dma_start3A_158 : memref<251904x128xf32, #tpu.memory_space<hbm>>) target(%arg17 : memref<128x128xf32, #tpu.memory_space<vmem>>) offsets(%dma_start3A_155 : memref<128xi32, #tpu.memory_space<vmem>>) semaphore(%arg19 : memref<!tpu.dma_semaphore, #tpu.memory_space<semaphore_mem>>)
    %dma_wait3A_159 = arith.constant 2 : i32
    %dma_wait3A_160 = arith.constant 0 : i32
    %dma_wait3A_161 = tpu.memref_slice %arg14[%dma_wait3A_159, %dma_wait3A_160] : memref<4x128xi32, #tpu.memory_space<vmem>> -> memref<1x128xi32, #tpu.memory_space<vmem>>
    %dma_wait3A_162 = tpu.memref_squeeze %dma_wait3A_161 : memref<1x128xi32, #tpu.memory_space<vmem>> -> memref<128xi32, #tpu.memory_space<vmem>>
    %dma_wait3A_163 = arith.constant 0 : i32
    %dma_wait3A_164 = arith.constant 0 : i32
    %dma_wait3A_165 = tpu.memref_slice %arg2[%dma_wait3A_163, %dma_wait3A_164] : memref<251904x128xf32, #tpu.memory_space<hbm>> -> memref<251904x128xf32, #tpu.memory_space<hbm>>
    tpu.wait_indirect_dma semaphore(%arg18 : memref<!tpu.dma_semaphore, #tpu.memory_space<semaphore_mem>>) src(%dma_wait3A_165 : memref<251904x128xf32, #tpu.memory_space<hbm>>) dst(%arg16 : memref<128x128xf32, #tpu.memory_space<vmem>>)
    %add3A_166 = arith.constant 256 : i32
    %add3A_167 = arith.addi %mul3A_2, %add3A_166 : i32
    %dma_start3A_168 = arith.constant 0 : i32
    %dma_start3A_169 = tpu.memref_slice %arg9[%add3A_167, %dma_start3A_168] : memref<16384x128xf32, #tpu.memory_space<hbm>> -> memref<128x128xf32, #tpu.memory_space<hbm>>
    %dma_start3A_170 = arith.constant 0 : i32
    %dma_start3A_171 = tpu.memref_slice %arg9[%add3A_167, %dma_start3A_170] : memref<16384x128xf32, #tpu.memory_space<hbm>> -> memref<128x128xf32, #tpu.memory_space<hbm>>
    tpu.enqueue_dma source(%arg16 : memref<128x128xf32, #tpu.memory_space<vmem>>) target(%dma_start3A_171 : memref<128x128xf32, #tpu.memory_space<hbm>>) target_semaphore(%arg20 : memref<!tpu.dma_semaphore, #tpu.memory_space<semaphore_mem>>)
    %dma_wait3A_172 = arith.constant 0 : i32
    %dma_wait3A_173 = tpu.memref_slice %arg9[%add3A_167, %dma_wait3A_172] : memref<16384x128xf32, #tpu.memory_space<hbm>> -> memref<128x128xf32, #tpu.memory_space<hbm>>
    %dma_wait3A_174 = arith.constant 0 : i32
    %dma_wait3A_175 = tpu.memref_slice %arg9[%add3A_167, %dma_wait3A_174] : memref<16384x128xf32, #tpu.memory_space<hbm>> -> memref<128x128xf32, #tpu.memory_space<hbm>>
    tpu.wait_dma2 semaphore(%arg20 : memref<!tpu.dma_semaphore, #tpu.memory_space<semaphore_mem>>) src(%arg16 : memref<128x128xf32, #tpu.memory_space<vmem>>) dst(%dma_wait3A_175 : memref<128x128xf32, #tpu.memory_space<hbm>>)
    %dma_start3A_176 = arith.constant 0 : i32
    %dma_start3A_177 = arith.constant 0 : i32
    %dma_start3A_178 = tpu.memref_slice %arg13[%dma_start3A_176, %dma_start3A_177] : memref<4x128xi32, #tpu.memory_space<vmem>> -> memref<1x128xi32, #tpu.memory_space<vmem>>
    %dma_start3A_179 = tpu.memref_squeeze %dma_start3A_178 : memref<1x128xi32, #tpu.memory_space<vmem>> -> memref<128xi32, #tpu.memory_space<vmem>>
    %dma_start3A_180 = arith.constant 0 : i32
    %dma_start3A_181 = arith.constant 0 : i32
    %dma_start3A_182 = tpu.memref_slice %arg3[%dma_start3A_180, %dma_start3A_181] : memref<251904x128xf32, #tpu.memory_space<hbm>> -> memref<251904x128xf32, #tpu.memory_space<hbm>>
    tpu.enqueue_indirect_dma source(%dma_start3A_182 : memref<251904x128xf32, #tpu.memory_space<hbm>>) target(%arg16 : memref<128x128xf32, #tpu.memory_space<vmem>>) offsets(%dma_start3A_179 : memref<128xi32, #tpu.memory_space<vmem>>) semaphore(%arg18 : memref<!tpu.dma_semaphore, #tpu.memory_space<semaphore_mem>>)
    %dma_wait3A_183 = arith.constant 3 : i32
    %dma_wait3A_184 = arith.constant 0 : i32
    %dma_wait3A_185 = tpu.memref_slice %arg14[%dma_wait3A_183, %dma_wait3A_184] : memref<4x128xi32, #tpu.memory_space<vmem>> -> memref<1x128xi32, #tpu.memory_space<vmem>>
    %dma_wait3A_186 = tpu.memref_squeeze %dma_wait3A_185 : memref<1x128xi32, #tpu.memory_space<vmem>> -> memref<128xi32, #tpu.memory_space<vmem>>
    %dma_wait3A_187 = arith.constant 0 : i32
    %dma_wait3A_188 = arith.constant 0 : i32
    %dma_wait3A_189 = tpu.memref_slice %arg2[%dma_wait3A_187, %dma_wait3A_188] : memref<251904x128xf32, #tpu.memory_space<hbm>> -> memref<251904x128xf32, #tpu.memory_space<hbm>>
    tpu.wait_indirect_dma semaphore(%arg19 : memref<!tpu.dma_semaphore, #tpu.memory_space<semaphore_mem>>) src(%dma_wait3A_189 : memref<251904x128xf32, #tpu.memory_space<hbm>>) dst(%arg17 : memref<128x128xf32, #tpu.memory_space<vmem>>)
    %add3A_190 = arith.constant 384 : i32
    %add3A_191 = arith.addi %mul3A_2, %add3A_190 : i32
    %dma_start3A_192 = arith.constant 0 : i32
    %dma_start3A_193 = tpu.memref_slice %arg9[%add3A_191, %dma_start3A_192] : memref<16384x128xf32, #tpu.memory_space<hbm>> -> memref<128x128xf32, #tpu.memory_space<hbm>>
    %dma_start3A_194 = arith.constant 0 : i32
    %dma_start3A_195 = tpu.memref_slice %arg9[%add3A_191, %dma_start3A_194] : memref<16384x128xf32, #tpu.memory_space<hbm>> -> memref<128x128xf32, #tpu.memory_space<hbm>>
    tpu.enqueue_dma source(%arg17 : memref<128x128xf32, #tpu.memory_space<vmem>>) target(%dma_start3A_195 : memref<128x128xf32, #tpu.memory_space<hbm>>) target_semaphore(%arg21 : memref<!tpu.dma_semaphore, #tpu.memory_space<semaphore_mem>>)
    %dma_wait3A_196 = arith.constant 0 : i32
    %dma_wait3A_197 = tpu.memref_slice %arg9[%add3A_191, %dma_wait3A_196] : memref<16384x128xf32, #tpu.memory_space<hbm>> -> memref<128x128xf32, #tpu.memory_space<hbm>>
    %dma_wait3A_198 = arith.constant 0 : i32
    %dma_wait3A_199 = tpu.memref_slice %arg9[%add3A_191, %dma_wait3A_198] : memref<16384x128xf32, #tpu.memory_space<hbm>> -> memref<128x128xf32, #tpu.memory_space<hbm>>
    tpu.wait_dma2 semaphore(%arg21 : memref<!tpu.dma_semaphore, #tpu.memory_space<semaphore_mem>>) src(%arg17 : memref<128x128xf32, #tpu.memory_space<vmem>>) dst(%dma_wait3A_199 : memref<128x128xf32, #tpu.memory_space<hbm>>)
    %dma_start3A_200 = arith.constant 1 : i32
    %dma_start3A_201 = arith.constant 0 : i32
    %dma_start3A_202 = tpu.memref_slice %arg13[%dma_start3A_200, %dma_start3A_201] : memref<4x128xi32, #tpu.memory_space<vmem>> -> memref<1x128xi32, #tpu.memory_space<vmem>>
    %dma_start3A_203 = tpu.memref_squeeze %dma_start3A_202 : memref<1x128xi32, #tpu.memory_space<vmem>> -> memref<128xi32, #tpu.memory_space<vmem>>
    %dma_start3A_204 = arith.constant 0 : i32
    %dma_start3A_205 = arith.constant 0 : i32
    %dma_start3A_206 = tpu.memref_slice %arg3[%dma_start3A_204, %dma_start3A_205] : memref<251904x128xf32, #tpu.memory_space<hbm>> -> memref<251904x128xf32, #tpu.memory_space<hbm>>
    tpu.enqueue_indirect_dma source(%dma_start3A_206 : memref<251904x128xf32, #tpu.memory_space<hbm>>) target(%arg17 : memref<128x128xf32, #tpu.memory_space<vmem>>) offsets(%dma_start3A_203 : memref<128xi32, #tpu.memory_space<vmem>>) semaphore(%arg19 : memref<!tpu.dma_semaphore, #tpu.memory_space<semaphore_mem>>)
    %dma_wait3A_207 = arith.constant 0 : i32
    %dma_wait3A_208 = arith.constant 0 : i32
    %dma_wait3A_209 = tpu.memref_slice %arg13[%dma_wait3A_207, %dma_wait3A_208] : memref<4x128xi32, #tpu.memory_space<vmem>> -> memref<1x128xi32, #tpu.memory_space<vmem>>
    %dma_wait3A_210 = tpu.memref_squeeze %dma_wait3A_209 : memref<1x128xi32, #tpu.memory_space<vmem>> -> memref<128xi32, #tpu.memory_space<vmem>>
    %dma_wait3A_211 = arith.constant 0 : i32
    %dma_wait3A_212 = arith.constant 0 : i32
    %dma_wait3A_213 = tpu.memref_slice %arg3[%dma_wait3A_211, %dma_wait3A_212] : memref<251904x128xf32, #tpu.memory_space<hbm>> -> memref<251904x128xf32, #tpu.memory_space<hbm>>
    tpu.wait_indirect_dma semaphore(%arg18 : memref<!tpu.dma_semaphore, #tpu.memory_space<semaphore_mem>>) src(%dma_wait3A_213 : memref<251904x128xf32, #tpu.memory_space<hbm>>) dst(%arg16 : memref<128x128xf32, #tpu.memory_space<vmem>>)
    %add3A_214 = arith.constant 0 : i32
    %add3A_215 = arith.addi %mul3A_2, %add3A_214 : i32
    %dma_start3A_216 = arith.constant 0 : i32
    %dma_start3A_217 = tpu.memref_slice %arg10[%add3A_215, %dma_start3A_216] : memref<16384x128xf32, #tpu.memory_space<hbm>> -> memref<128x128xf32, #tpu.memory_space<hbm>>
    %dma_start3A_218 = arith.constant 0 : i32
    %dma_start3A_219 = tpu.memref_slice %arg10[%add3A_215, %dma_start3A_218] : memref<16384x128xf32, #tpu.memory_space<hbm>> -> memref<128x128xf32, #tpu.memory_space<hbm>>
    tpu.enqueue_dma source(%arg16 : memref<128x128xf32, #tpu.memory_space<vmem>>) target(%dma_start3A_219 : memref<128x128xf32, #tpu.memory_space<hbm>>) target_semaphore(%arg20 : memref<!tpu.dma_semaphore, #tpu.memory_space<semaphore_mem>>)
    %dma_wait3A_220 = arith.constant 0 : i32
    %dma_wait3A_221 = tpu.memref_slice %arg10[%add3A_215, %dma_wait3A_220] : memref<16384x128xf32, #tpu.memory_space<hbm>> -> memref<128x128xf32, #tpu.memory_space<hbm>>
    %dma_wait3A_222 = arith.constant 0 : i32
    %dma_wait3A_223 = tpu.memref_slice %arg10[%add3A_215, %dma_wait3A_222] : memref<16384x128xf32, #tpu.memory_space<hbm>> -> memref<128x128xf32, #tpu.memory_space<hbm>>
    tpu.wait_dma2 semaphore(%arg20 : memref<!tpu.dma_semaphore, #tpu.memory_space<semaphore_mem>>) src(%arg16 : memref<128x128xf32, #tpu.memory_space<vmem>>) dst(%dma_wait3A_223 : memref<128x128xf32, #tpu.memory_space<hbm>>)
    %dma_start3A_224 = arith.constant 2 : i32
    %dma_start3A_225 = arith.constant 0 : i32
    %dma_start3A_226 = tpu.memref_slice %arg13[%dma_start3A_224, %dma_start3A_225] : memref<4x128xi32, #tpu.memory_space<vmem>> -> memref<1x128xi32, #tpu.memory_space<vmem>>
    %dma_start3A_227 = tpu.memref_squeeze %dma_start3A_226 : memref<1x128xi32, #tpu.memory_space<vmem>> -> memref<128xi32, #tpu.memory_space<vmem>>
    %dma_start3A_228 = arith.constant 0 : i32
    %dma_start3A_229 = arith.constant 0 : i32
    %dma_start3A_230 = tpu.memref_slice %arg3[%dma_start3A_228, %dma_start3A_229] : memref<251904x128xf32, #tpu.memory_space<hbm>> -> memref<251904x128xf32, #tpu.memory_space<hbm>>
    tpu.enqueue_indirect_dma source(%dma_start3A_230 : memref<251904x128xf32, #tpu.memory_space<hbm>>) target(%arg16 : memref<128x128xf32, #tpu.memory_space<vmem>>) offsets(%dma_start3A_227 : memref<128xi32, #tpu.memory_space<vmem>>) semaphore(%arg18 : memref<!tpu.dma_semaphore, #tpu.memory_space<semaphore_mem>>)
    %dma_wait3A_231 = arith.constant 1 : i32
    %dma_wait3A_232 = arith.constant 0 : i32
    %dma_wait3A_233 = tpu.memref_slice %arg13[%dma_wait3A_231, %dma_wait3A_232] : memref<4x128xi32, #tpu.memory_space<vmem>> -> memref<1x128xi32, #tpu.memory_space<vmem>>
    %dma_wait3A_234 = tpu.memref_squeeze %dma_wait3A_233 : memref<1x128xi32, #tpu.memory_space<vmem>> -> memref<128xi32, #tpu.memory_space<vmem>>
    %dma_wait3A_235 = arith.constant 0 : i32
    %dma_wait3A_236 = arith.constant 0 : i32
    %dma_wait3A_237 = tpu.memref_slice %arg3[%dma_wait3A_235, %dma_wait3A_236] : memref<251904x128xf32, #tpu.memory_space<hbm>> -> memref<251904x128xf32, #tpu.memory_space<hbm>>
    tpu.wait_indirect_dma semaphore(%arg19 : memref<!tpu.dma_semaphore, #tpu.memory_space<semaphore_mem>>) src(%dma_wait3A_237 : memref<251904x128xf32, #tpu.memory_space<hbm>>) dst(%arg17 : memref<128x128xf32, #tpu.memory_space<vmem>>)
    %add3A_238 = arith.constant 128 : i32
    %add3A_239 = arith.addi %mul3A_2, %add3A_238 : i32
    %dma_start3A_240 = arith.constant 0 : i32
    %dma_start3A_241 = tpu.memref_slice %arg10[%add3A_239, %dma_start3A_240] : memref<16384x128xf32, #tpu.memory_space<hbm>> -> memref<128x128xf32, #tpu.memory_space<hbm>>
    %dma_start3A_242 = arith.constant 0 : i32
    %dma_start3A_243 = tpu.memref_slice %arg10[%add3A_239, %dma_start3A_242] : memref<16384x128xf32, #tpu.memory_space<hbm>> -> memref<128x128xf32, #tpu.memory_space<hbm>>
    tpu.enqueue_dma source(%arg17 : memref<128x128xf32, #tpu.memory_space<vmem>>) target(%dma_start3A_243 : memref<128x128xf32, #tpu.memory_space<hbm>>) target_semaphore(%arg21 : memref<!tpu.dma_semaphore, #tpu.memory_space<semaphore_mem>>)
    %dma_wait3A_244 = arith.constant 0 : i32
    %dma_wait3A_245 = tpu.memref_slice %arg10[%add3A_239, %dma_wait3A_244] : memref<16384x128xf32, #tpu.memory_space<hbm>> -> memref<128x128xf32, #tpu.memory_space<hbm>>
    %dma_wait3A_246 = arith.constant 0 : i32
    %dma_wait3A_247 = tpu.memref_slice %arg10[%add3A_239, %dma_wait3A_246] : memref<16384x128xf32, #tpu.memory_space<hbm>> -> memref<128x128xf32, #tpu.memory_space<hbm>>
    tpu.wait_dma2 semaphore(%arg21 : memref<!tpu.dma_semaphore, #tpu.memory_space<semaphore_mem>>) src(%arg17 : memref<128x128xf32, #tpu.memory_space<vmem>>) dst(%dma_wait3A_247 : memref<128x128xf32, #tpu.memory_space<hbm>>)
    %dma_start3A_248 = arith.constant 3 : i32
    %dma_start3A_249 = arith.constant 0 : i32
    %dma_start3A_250 = tpu.memref_slice %arg13[%dma_start3A_248, %dma_start3A_249] : memref<4x128xi32, #tpu.memory_space<vmem>> -> memref<1x128xi32, #tpu.memory_space<vmem>>
    %dma_start3A_251 = tpu.memref_squeeze %dma_start3A_250 : memref<1x128xi32, #tpu.memory_space<vmem>> -> memref<128xi32, #tpu.memory_space<vmem>>
    %dma_start3A_252 = arith.constant 0 : i32
    %dma_start3A_253 = arith.constant 0 : i32
    %dma_start3A_254 = tpu.memref_slice %arg3[%dma_start3A_252, %dma_start3A_253] : memref<251904x128xf32, #tpu.memory_space<hbm>> -> memref<251904x128xf32, #tpu.memory_space<hbm>>
    tpu.enqueue_indirect_dma source(%dma_start3A_254 : memref<251904x128xf32, #tpu.memory_space<hbm>>) target(%arg17 : memref<128x128xf32, #tpu.memory_space<vmem>>) offsets(%dma_start3A_251 : memref<128xi32, #tpu.memory_space<vmem>>) semaphore(%arg19 : memref<!tpu.dma_semaphore, #tpu.memory_space<semaphore_mem>>)
    %dma_wait3A_255 = arith.constant 2 : i32
    %dma_wait3A_256 = arith.constant 0 : i32
    %dma_wait3A_257 = tpu.memref_slice %arg13[%dma_wait3A_255, %dma_wait3A_256] : memref<4x128xi32, #tpu.memory_space<vmem>> -> memref<1x128xi32, #tpu.memory_space<vmem>>
    %dma_wait3A_258 = tpu.memref_squeeze %dma_wait3A_257 : memref<1x128xi32, #tpu.memory_space<vmem>> -> memref<128xi32, #tpu.memory_space<vmem>>
    %dma_wait3A_259 = arith.constant 0 : i32
    %dma_wait3A_260 = arith.constant 0 : i32
    %dma_wait3A_261 = tpu.memref_slice %arg3[%dma_wait3A_259, %dma_wait3A_260] : memref<251904x128xf32, #tpu.memory_space<hbm>> -> memref<251904x128xf32, #tpu.memory_space<hbm>>
    tpu.wait_indirect_dma semaphore(%arg18 : memref<!tpu.dma_semaphore, #tpu.memory_space<semaphore_mem>>) src(%dma_wait3A_261 : memref<251904x128xf32, #tpu.memory_space<hbm>>) dst(%arg16 : memref<128x128xf32, #tpu.memory_space<vmem>>)
    %add3A_262 = arith.constant 256 : i32
    %add3A_263 = arith.addi %mul3A_2, %add3A_262 : i32
    %dma_start3A_264 = arith.constant 0 : i32
    %dma_start3A_265 = tpu.memref_slice %arg10[%add3A_263, %dma_start3A_264] : memref<16384x128xf32, #tpu.memory_space<hbm>> -> memref<128x128xf32, #tpu.memory_space<hbm>>
    %dma_start3A_266 = arith.constant 0 : i32
    %dma_start3A_267 = tpu.memref_slice %arg10[%add3A_263, %dma_start3A_266] : memref<16384x128xf32, #tpu.memory_space<hbm>> -> memref<128x128xf32, #tpu.memory_space<hbm>>
    tpu.enqueue_dma source(%arg16 : memref<128x128xf32, #tpu.memory_space<vmem>>) target(%dma_start3A_267 : memref<128x128xf32, #tpu.memory_space<hbm>>) target_semaphore(%arg20 : memref<!tpu.dma_semaphore, #tpu.memory_space<semaphore_mem>>)
    %dma_wait3A_268 = arith.constant 0 : i32
    %dma_wait3A_269 = tpu.memref_slice %arg10[%add3A_263, %dma_wait3A_268] : memref<16384x128xf32, #tpu.memory_space<hbm>> -> memref<128x128xf32, #tpu.memory_space<hbm>>
    %dma_wait3A_270 = arith.constant 0 : i32
    %dma_wait3A_271 = tpu.memref_slice %arg10[%add3A_263, %dma_wait3A_270] : memref<16384x128xf32, #tpu.memory_space<hbm>> -> memref<128x128xf32, #tpu.memory_space<hbm>>
    tpu.wait_dma2 semaphore(%arg20 : memref<!tpu.dma_semaphore, #tpu.memory_space<semaphore_mem>>) src(%arg16 : memref<128x128xf32, #tpu.memory_space<vmem>>) dst(%dma_wait3A_271 : memref<128x128xf32, #tpu.memory_space<hbm>>)
    %dma_start3A_272 = arith.constant 0 : i32
    %dma_start3A_273 = arith.constant 0 : i32
    %dma_start3A_274 = tpu.memref_slice %arg14[%dma_start3A_272, %dma_start3A_273] : memref<4x128xi32, #tpu.memory_space<vmem>> -> memref<1x128xi32, #tpu.memory_space<vmem>>
    %dma_start3A_275 = tpu.memref_squeeze %dma_start3A_274 : memref<1x128xi32, #tpu.memory_space<vmem>> -> memref<128xi32, #tpu.memory_space<vmem>>
    %dma_start3A_276 = arith.constant 0 : i32
    %dma_start3A_277 = arith.constant 0 : i32
    %dma_start3A_278 = tpu.memref_slice %arg3[%dma_start3A_276, %dma_start3A_277] : memref<251904x128xf32, #tpu.memory_space<hbm>> -> memref<251904x128xf32, #tpu.memory_space<hbm>>
    tpu.enqueue_indirect_dma source(%dma_start3A_278 : memref<251904x128xf32, #tpu.memory_space<hbm>>) target(%arg16 : memref<128x128xf32, #tpu.memory_space<vmem>>) offsets(%dma_start3A_275 : memref<128xi32, #tpu.memory_space<vmem>>) semaphore(%arg18 : memref<!tpu.dma_semaphore, #tpu.memory_space<semaphore_mem>>)
    %dma_wait3A_279 = arith.constant 3 : i32
    %dma_wait3A_280 = arith.constant 0 : i32
    %dma_wait3A_281 = tpu.memref_slice %arg13[%dma_wait3A_279, %dma_wait3A_280] : memref<4x128xi32, #tpu.memory_space<vmem>> -> memref<1x128xi32, #tpu.memory_space<vmem>>
    %dma_wait3A_282 = tpu.memref_squeeze %dma_wait3A_281 : memref<1x128xi32, #tpu.memory_space<vmem>> -> memref<128xi32, #tpu.memory_space<vmem>>
    %dma_wait3A_283 = arith.constant 0 : i32
    %dma_wait3A_284 = arith.constant 0 : i32
    %dma_wait3A_285 = tpu.memref_slice %arg3[%dma_wait3A_283, %dma_wait3A_284] : memref<251904x128xf32, #tpu.memory_space<hbm>> -> memref<251904x128xf32, #tpu.memory_space<hbm>>
    tpu.wait_indirect_dma semaphore(%arg19 : memref<!tpu.dma_semaphore, #tpu.memory_space<semaphore_mem>>) src(%dma_wait3A_285 : memref<251904x128xf32, #tpu.memory_space<hbm>>) dst(%arg17 : memref<128x128xf32, #tpu.memory_space<vmem>>)
    %add3A_286 = arith.constant 384 : i32
    %add3A_287 = arith.addi %mul3A_2, %add3A_286 : i32
    %dma_start3A_288 = arith.constant 0 : i32
    %dma_start3A_289 = tpu.memref_slice %arg10[%add3A_287, %dma_start3A_288] : memref<16384x128xf32, #tpu.memory_space<hbm>> -> memref<128x128xf32, #tpu.memory_space<hbm>>
    %dma_start3A_290 = arith.constant 0 : i32
    %dma_start3A_291 = tpu.memref_slice %arg10[%add3A_287, %dma_start3A_290] : memref<16384x128xf32, #tpu.memory_space<hbm>> -> memref<128x128xf32, #tpu.memory_space<hbm>>
    tpu.enqueue_dma source(%arg17 : memref<128x128xf32, #tpu.memory_space<vmem>>) target(%dma_start3A_291 : memref<128x128xf32, #tpu.memory_space<hbm>>) target_semaphore(%arg21 : memref<!tpu.dma_semaphore, #tpu.memory_space<semaphore_mem>>)
    %dma_wait3A_292 = arith.constant 0 : i32
    %dma_wait3A_293 = tpu.memref_slice %arg10[%add3A_287, %dma_wait3A_292] : memref<16384x128xf32, #tpu.memory_space<hbm>> -> memref<128x128xf32, #tpu.memory_space<hbm>>
    %dma_wait3A_294 = arith.constant 0 : i32
    %dma_wait3A_295 = tpu.memref_slice %arg10[%add3A_287, %dma_wait3A_294] : memref<16384x128xf32, #tpu.memory_space<hbm>> -> memref<128x128xf32, #tpu.memory_space<hbm>>
    tpu.wait_dma2 semaphore(%arg21 : memref<!tpu.dma_semaphore, #tpu.memory_space<semaphore_mem>>) src(%arg17 : memref<128x128xf32, #tpu.memory_space<vmem>>) dst(%dma_wait3A_295 : memref<128x128xf32, #tpu.memory_space<hbm>>)
    %dma_start3A_296 = arith.constant 1 : i32
    %dma_start3A_297 = arith.constant 0 : i32
    %dma_start3A_298 = tpu.memref_slice %arg14[%dma_start3A_296, %dma_start3A_297] : memref<4x128xi32, #tpu.memory_space<vmem>> -> memref<1x128xi32, #tpu.memory_space<vmem>>
    %dma_start3A_299 = tpu.memref_squeeze %dma_start3A_298 : memref<1x128xi32, #tpu.memory_space<vmem>> -> memref<128xi32, #tpu.memory_space<vmem>>
    %dma_start3A_300 = arith.constant 0 : i32
    %dma_start3A_301 = arith.constant 0 : i32
    %dma_start3A_302 = tpu.memref_slice %arg3[%dma_start3A_300, %dma_start3A_301] : memref<251904x128xf32, #tpu.memory_space<hbm>> -> memref<251904x128xf32, #tpu.memory_space<hbm>>
    tpu.enqueue_indirect_dma source(%dma_start3A_302 : memref<251904x128xf32, #tpu.memory_space<hbm>>) target(%arg17 : memref<128x128xf32, #tpu.memory_space<vmem>>) offsets(%dma_start3A_299 : memref<128xi32, #tpu.memory_space<vmem>>) semaphore(%arg19 : memref<!tpu.dma_semaphore, #tpu.memory_space<semaphore_mem>>)
    %dma_wait3A_303 = arith.constant 0 : i32
    %dma_wait3A_304 = arith.constant 0 : i32
    %dma_wait3A_305 = tpu.memref_slice %arg14[%dma_wait3A_303, %dma_wait3A_304] : memref<4x128xi32, #tpu.memory_space<vmem>> -> memref<1x128xi32, #tpu.memory_space<vmem>>
    %dma_wait3A_306 = tpu.memref_squeeze %dma_wait3A_305 : memref<1x128xi32, #tpu.memory_space<vmem>> -> memref<128xi32, #tpu.memory_space<vmem>>
    %dma_wait3A_307 = arith.constant 0 : i32
    %dma_wait3A_308 = arith.constant 0 : i32
    %dma_wait3A_309 = tpu.memref_slice %arg3[%dma_wait3A_307, %dma_wait3A_308] : memref<251904x128xf32, #tpu.memory_space<hbm>> -> memref<251904x128xf32, #tpu.memory_space<hbm>>
    tpu.wait_indirect_dma semaphore(%arg18 : memref<!tpu.dma_semaphore, #tpu.memory_space<semaphore_mem>>) src(%dma_wait3A_309 : memref<251904x128xf32, #tpu.memory_space<hbm>>) dst(%arg16 : memref<128x128xf32, #tpu.memory_space<vmem>>)
    %add3A_310 = arith.constant 0 : i32
    %add3A_311 = arith.addi %mul3A_2, %add3A_310 : i32
    %dma_start3A_312 = arith.constant 0 : i32
    %dma_start3A_313 = tpu.memref_slice %arg11[%add3A_311, %dma_start3A_312] : memref<16384x128xf32, #tpu.memory_space<hbm>> -> memref<128x128xf32, #tpu.memory_space<hbm>>
    %dma_start3A_314 = arith.constant 0 : i32
    %dma_start3A_315 = tpu.memref_slice %arg11[%add3A_311, %dma_start3A_314] : memref<16384x128xf32, #tpu.memory_space<hbm>> -> memref<128x128xf32, #tpu.memory_space<hbm>>
    tpu.enqueue_dma source(%arg16 : memref<128x128xf32, #tpu.memory_space<vmem>>) target(%dma_start3A_315 : memref<128x128xf32, #tpu.memory_space<hbm>>) target_semaphore(%arg20 : memref<!tpu.dma_semaphore, #tpu.memory_space<semaphore_mem>>)
    %dma_wait3A_316 = arith.constant 0 : i32
    %dma_wait3A_317 = tpu.memref_slice %arg11[%add3A_311, %dma_wait3A_316] : memref<16384x128xf32, #tpu.memory_space<hbm>> -> memref<128x128xf32, #tpu.memory_space<hbm>>
    %dma_wait3A_318 = arith.constant 0 : i32
    %dma_wait3A_319 = tpu.memref_slice %arg11[%add3A_311, %dma_wait3A_318] : memref<16384x128xf32, #tpu.memory_space<hbm>> -> memref<128x128xf32, #tpu.memory_space<hbm>>
    tpu.wait_dma2 semaphore(%arg20 : memref<!tpu.dma_semaphore, #tpu.memory_space<semaphore_mem>>) src(%arg16 : memref<128x128xf32, #tpu.memory_space<vmem>>) dst(%dma_wait3A_319 : memref<128x128xf32, #tpu.memory_space<hbm>>)
    %dma_start3A_320 = arith.constant 2 : i32
    %dma_start3A_321 = arith.constant 0 : i32
    %dma_start3A_322 = tpu.memref_slice %arg14[%dma_start3A_320, %dma_start3A_321] : memref<4x128xi32, #tpu.memory_space<vmem>> -> memref<1x128xi32, #tpu.memory_space<vmem>>
    %dma_start3A_323 = tpu.memref_squeeze %dma_start3A_322 : memref<1x128xi32, #tpu.memory_space<vmem>> -> memref<128xi32, #tpu.memory_space<vmem>>
    %dma_start3A_324 = arith.constant 0 : i32
    %dma_start3A_325 = arith.constant 0 : i32
    %dma_start3A_326 = tpu.memref_slice %arg3[%dma_start3A_324, %dma_start3A_325] : memref<251904x128xf32, #tpu.memory_space<hbm>> -> memref<251904x128xf32, #tpu.memory_space<hbm>>
    tpu.enqueue_indirect_dma source(%dma_start3A_326 : memref<251904x128xf32, #tpu.memory_space<hbm>>) target(%arg16 : memref<128x128xf32, #tpu.memory_space<vmem>>) offsets(%dma_start3A_323 : memref<128xi32, #tpu.memory_space<vmem>>) semaphore(%arg18 : memref<!tpu.dma_semaphore, #tpu.memory_space<semaphore_mem>>)
    %dma_wait3A_327 = arith.constant 1 : i32
    %dma_wait3A_328 = arith.constant 0 : i32
    %dma_wait3A_329 = tpu.memref_slice %arg14[%dma_wait3A_327, %dma_wait3A_328] : memref<4x128xi32, #tpu.memory_space<vmem>> -> memref<1x128xi32, #tpu.memory_space<vmem>>
    %dma_wait3A_330 = tpu.memref_squeeze %dma_wait3A_329 : memref<1x128xi32, #tpu.memory_space<vmem>> -> memref<128xi32, #tpu.memory_space<vmem>>
    %dma_wait3A_331 = arith.constant 0 : i32
    %dma_wait3A_332 = arith.constant 0 : i32
    %dma_wait3A_333 = tpu.memref_slice %arg3[%dma_wait3A_331, %dma_wait3A_332] : memref<251904x128xf32, #tpu.memory_space<hbm>> -> memref<251904x128xf32, #tpu.memory_space<hbm>>
    tpu.wait_indirect_dma semaphore(%arg19 : memref<!tpu.dma_semaphore, #tpu.memory_space<semaphore_mem>>) src(%dma_wait3A_333 : memref<251904x128xf32, #tpu.memory_space<hbm>>) dst(%arg17 : memref<128x128xf32, #tpu.memory_space<vmem>>)
    %add3A_334 = arith.constant 128 : i32
    %add3A_335 = arith.addi %mul3A_2, %add3A_334 : i32
    %dma_start3A_336 = arith.constant 0 : i32
    %dma_start3A_337 = tpu.memref_slice %arg11[%add3A_335, %dma_start3A_336] : memref<16384x128xf32, #tpu.memory_space<hbm>> -> memref<128x128xf32, #tpu.memory_space<hbm>>
    %dma_start3A_338 = arith.constant 0 : i32
    %dma_start3A_339 = tpu.memref_slice %arg11[%add3A_335, %dma_start3A_338] : memref<16384x128xf32, #tpu.memory_space<hbm>> -> memref<128x128xf32, #tpu.memory_space<hbm>>
    tpu.enqueue_dma source(%arg17 : memref<128x128xf32, #tpu.memory_space<vmem>>) target(%dma_start3A_339 : memref<128x128xf32, #tpu.memory_space<hbm>>) target_semaphore(%arg21 : memref<!tpu.dma_semaphore, #tpu.memory_space<semaphore_mem>>)
    %dma_wait3A_340 = arith.constant 0 : i32
    %dma_wait3A_341 = tpu.memref_slice %arg11[%add3A_335, %dma_wait3A_340] : memref<16384x128xf32, #tpu.memory_space<hbm>> -> memref<128x128xf32, #tpu.memory_space<hbm>>
    %dma_wait3A_342 = arith.constant 0 : i32
    %dma_wait3A_343 = tpu.memref_slice %arg11[%add3A_335, %dma_wait3A_342] : memref<16384x128xf32, #tpu.memory_space<hbm>> -> memref<128x128xf32, #tpu.memory_space<hbm>>
    tpu.wait_dma2 semaphore(%arg21 : memref<!tpu.dma_semaphore, #tpu.memory_space<semaphore_mem>>) src(%arg17 : memref<128x128xf32, #tpu.memory_space<vmem>>) dst(%dma_wait3A_343 : memref<128x128xf32, #tpu.memory_space<hbm>>)
    %dma_start3A_344 = arith.constant 3 : i32
    %dma_start3A_345 = arith.constant 0 : i32
    %dma_start3A_346 = tpu.memref_slice %arg14[%dma_start3A_344, %dma_start3A_345] : memref<4x128xi32, #tpu.memory_space<vmem>> -> memref<1x128xi32, #tpu.memory_space<vmem>>
    %dma_start3A_347 = tpu.memref_squeeze %dma_start3A_346 : memref<1x128xi32, #tpu.memory_space<vmem>> -> memref<128xi32, #tpu.memory_space<vmem>>
    %dma_start3A_348 = arith.constant 0 : i32
    %dma_start3A_349 = arith.constant 0 : i32
    %dma_start3A_350 = tpu.memref_slice %arg3[%dma_start3A_348, %dma_start3A_349] : memref<251904x128xf32, #tpu.memory_space<hbm>> -> memref<251904x128xf32, #tpu.memory_space<hbm>>
    tpu.enqueue_indirect_dma source(%dma_start3A_350 : memref<251904x128xf32, #tpu.memory_space<hbm>>) target(%arg17 : memref<128x128xf32, #tpu.memory_space<vmem>>) offsets(%dma_start3A_347 : memref<128xi32, #tpu.memory_space<vmem>>) semaphore(%arg19 : memref<!tpu.dma_semaphore, #tpu.memory_space<semaphore_mem>>)
    %dma_wait3A_351 = arith.constant 2 : i32
    %dma_wait3A_352 = arith.constant 0 : i32
    %dma_wait3A_353 = tpu.memref_slice %arg14[%dma_wait3A_351, %dma_wait3A_352] : memref<4x128xi32, #tpu.memory_space<vmem>> -> memref<1x128xi32, #tpu.memory_space<vmem>>
    %dma_wait3A_354 = tpu.memref_squeeze %dma_wait3A_353 : memref<1x128xi32, #tpu.memory_space<vmem>> -> memref<128xi32, #tpu.memory_space<vmem>>
    %dma_wait3A_355 = arith.constant 0 : i32
    %dma_wait3A_356 = arith.constant 0 : i32
    %dma_wait3A_357 = tpu.memref_slice %arg3[%dma_wait3A_355, %dma_wait3A_356] : memref<251904x128xf32, #tpu.memory_space<hbm>> -> memref<251904x128xf32, #tpu.memory_space<hbm>>
    tpu.wait_indirect_dma semaphore(%arg18 : memref<!tpu.dma_semaphore, #tpu.memory_space<semaphore_mem>>) src(%dma_wait3A_357 : memref<251904x128xf32, #tpu.memory_space<hbm>>) dst(%arg16 : memref<128x128xf32, #tpu.memory_space<vmem>>)
    %add3A_358 = arith.constant 256 : i32
    %add3A_359 = arith.addi %mul3A_2, %add3A_358 : i32
    %dma_start3A_360 = arith.constant 0 : i32
    %dma_start3A_361 = tpu.memref_slice %arg11[%add3A_359, %dma_start3A_360] : memref<16384x128xf32, #tpu.memory_space<hbm>> -> memref<128x128xf32, #tpu.memory_space<hbm>>
    %dma_start3A_362 = arith.constant 0 : i32
    %dma_start3A_363 = tpu.memref_slice %arg11[%add3A_359, %dma_start3A_362] : memref<16384x128xf32, #tpu.memory_space<hbm>> -> memref<128x128xf32, #tpu.memory_space<hbm>>
    tpu.enqueue_dma source(%arg16 : memref<128x128xf32, #tpu.memory_space<vmem>>) target(%dma_start3A_363 : memref<128x128xf32, #tpu.memory_space<hbm>>) target_semaphore(%arg20 : memref<!tpu.dma_semaphore, #tpu.memory_space<semaphore_mem>>)
    %dma_wait3A_364 = arith.constant 0 : i32
    %dma_wait3A_365 = tpu.memref_slice %arg11[%add3A_359, %dma_wait3A_364] : memref<16384x128xf32, #tpu.memory_space<hbm>> -> memref<128x128xf32, #tpu.memory_space<hbm>>
    %dma_wait3A_366 = arith.constant 0 : i32
    %dma_wait3A_367 = tpu.memref_slice %arg11[%add3A_359, %dma_wait3A_366] : memref<16384x128xf32, #tpu.memory_space<hbm>> -> memref<128x128xf32, #tpu.memory_space<hbm>>
    tpu.wait_dma2 semaphore(%arg20 : memref<!tpu.dma_semaphore, #tpu.memory_space<semaphore_mem>>) src(%arg16 : memref<128x128xf32, #tpu.memory_space<vmem>>) dst(%dma_wait3A_367 : memref<128x128xf32, #tpu.memory_space<hbm>>)
    %dma_start3A_368 = arith.constant 0 : i32
    %dma_start3A_369 = arith.constant 0 : i32
    %dma_start3A_370 = tpu.memref_slice %arg15[%dma_start3A_368, %dma_start3A_369] : memref<4x128xi32, #tpu.memory_space<vmem>> -> memref<1x128xi32, #tpu.memory_space<vmem>>
    %dma_start3A_371 = tpu.memref_squeeze %dma_start3A_370 : memref<1x128xi32, #tpu.memory_space<vmem>> -> memref<128xi32, #tpu.memory_space<vmem>>
    %dma_start3A_372 = arith.constant 0 : i32
    %dma_start3A_373 = arith.constant 0 : i32
    %dma_start3A_374 = tpu.memref_slice %arg4[%dma_start3A_372, %dma_start3A_373] : memref<1000x128xf32, #tpu.memory_space<hbm>> -> memref<1000x128xf32, #tpu.memory_space<hbm>>
    tpu.enqueue_indirect_dma source(%dma_start3A_374 : memref<1000x128xf32, #tpu.memory_space<hbm>>) target(%arg16 : memref<128x128xf32, #tpu.memory_space<vmem>>) offsets(%dma_start3A_371 : memref<128xi32, #tpu.memory_space<vmem>>) semaphore(%arg18 : memref<!tpu.dma_semaphore, #tpu.memory_space<semaphore_mem>>)
    %dma_wait3A_375 = arith.constant 3 : i32
    %dma_wait3A_376 = arith.constant 0 : i32
    %dma_wait3A_377 = tpu.memref_slice %arg14[%dma_wait3A_375, %dma_wait3A_376] : memref<4x128xi32, #tpu.memory_space<vmem>> -> memref<1x128xi32, #tpu.memory_space<vmem>>
    %dma_wait3A_378 = tpu.memref_squeeze %dma_wait3A_377 : memref<1x128xi32, #tpu.memory_space<vmem>> -> memref<128xi32, #tpu.memory_space<vmem>>
    %dma_wait3A_379 = arith.constant 0 : i32
    %dma_wait3A_380 = arith.constant 0 : i32
    %dma_wait3A_381 = tpu.memref_slice %arg3[%dma_wait3A_379, %dma_wait3A_380] : memref<251904x128xf32, #tpu.memory_space<hbm>> -> memref<251904x128xf32, #tpu.memory_space<hbm>>
    tpu.wait_indirect_dma semaphore(%arg19 : memref<!tpu.dma_semaphore, #tpu.memory_space<semaphore_mem>>) src(%dma_wait3A_381 : memref<251904x128xf32, #tpu.memory_space<hbm>>) dst(%arg17 : memref<128x128xf32, #tpu.memory_space<vmem>>)
    %add3A_382 = arith.constant 384 : i32
    %add3A_383 = arith.addi %mul3A_2, %add3A_382 : i32
    %dma_start3A_384 = arith.constant 0 : i32
    %dma_start3A_385 = tpu.memref_slice %arg11[%add3A_383, %dma_start3A_384] : memref<16384x128xf32, #tpu.memory_space<hbm>> -> memref<128x128xf32, #tpu.memory_space<hbm>>
    %dma_start3A_386 = arith.constant 0 : i32
    %dma_start3A_387 = tpu.memref_slice %arg11[%add3A_383, %dma_start3A_386] : memref<16384x128xf32, #tpu.memory_space<hbm>> -> memref<128x128xf32, #tpu.memory_space<hbm>>
    tpu.enqueue_dma source(%arg17 : memref<128x128xf32, #tpu.memory_space<vmem>>) target(%dma_start3A_387 : memref<128x128xf32, #tpu.memory_space<hbm>>) target_semaphore(%arg21 : memref<!tpu.dma_semaphore, #tpu.memory_space<semaphore_mem>>)
    %dma_wait3A_388 = arith.constant 0 : i32
    %dma_wait3A_389 = tpu.memref_slice %arg11[%add3A_383, %dma_wait3A_388] : memref<16384x128xf32, #tpu.memory_space<hbm>> -> memref<128x128xf32, #tpu.memory_space<hbm>>
    %dma_wait3A_390 = arith.constant 0 : i32
    %dma_wait3A_391 = tpu.memref_slice %arg11[%add3A_383, %dma_wait3A_390] : memref<16384x128xf32, #tpu.memory_space<hbm>> -> memref<128x128xf32, #tpu.memory_space<hbm>>
    tpu.wait_dma2 semaphore(%arg21 : memref<!tpu.dma_semaphore, #tpu.memory_space<semaphore_mem>>) src(%arg17 : memref<128x128xf32, #tpu.memory_space<vmem>>) dst(%dma_wait3A_391 : memref<128x128xf32, #tpu.memory_space<hbm>>)
    %dma_start3A_392 = arith.constant 1 : i32
    %dma_start3A_393 = arith.constant 0 : i32
    %dma_start3A_394 = tpu.memref_slice %arg15[%dma_start3A_392, %dma_start3A_393] : memref<4x128xi32, #tpu.memory_space<vmem>> -> memref<1x128xi32, #tpu.memory_space<vmem>>
    %dma_start3A_395 = tpu.memref_squeeze %dma_start3A_394 : memref<1x128xi32, #tpu.memory_space<vmem>> -> memref<128xi32, #tpu.memory_space<vmem>>
    %dma_start3A_396 = arith.constant 0 : i32
    %dma_start3A_397 = arith.constant 0 : i32
    %dma_start3A_398 = tpu.memref_slice %arg4[%dma_start3A_396, %dma_start3A_397] : memref<1000x128xf32, #tpu.memory_space<hbm>> -> memref<1000x128xf32, #tpu.memory_space<hbm>>
    tpu.enqueue_indirect_dma source(%dma_start3A_398 : memref<1000x128xf32, #tpu.memory_space<hbm>>) target(%arg17 : memref<128x128xf32, #tpu.memory_space<vmem>>) offsets(%dma_start3A_395 : memref<128xi32, #tpu.memory_space<vmem>>) semaphore(%arg19 : memref<!tpu.dma_semaphore, #tpu.memory_space<semaphore_mem>>)
    %dma_wait3A_399 = arith.constant 0 : i32
    %dma_wait3A_400 = arith.constant 0 : i32
    %dma_wait3A_401 = tpu.memref_slice %arg15[%dma_wait3A_399, %dma_wait3A_400] : memref<4x128xi32, #tpu.memory_space<vmem>> -> memref<1x128xi32, #tpu.memory_space<vmem>>
    %dma_wait3A_402 = tpu.memref_squeeze %dma_wait3A_401 : memref<1x128xi32, #tpu.memory_space<vmem>> -> memref<128xi32, #tpu.memory_space<vmem>>
    %dma_wait3A_403 = arith.constant 0 : i32
    %dma_wait3A_404 = arith.constant 0 : i32
    %dma_wait3A_405 = tpu.memref_slice %arg4[%dma_wait3A_403, %dma_wait3A_404] : memref<1000x128xf32, #tpu.memory_space<hbm>> -> memref<1000x128xf32, #tpu.memory_space<hbm>>
    tpu.wait_indirect_dma semaphore(%arg18 : memref<!tpu.dma_semaphore, #tpu.memory_space<semaphore_mem>>) src(%dma_wait3A_405 : memref<1000x128xf32, #tpu.memory_space<hbm>>) dst(%arg16 : memref<128x128xf32, #tpu.memory_space<vmem>>)
    %add3A_406 = arith.constant 0 : i32
    %add3A_407 = arith.addi %mul3A_2, %add3A_406 : i32
    %dma_start3A_408 = arith.constant 0 : i32
    %dma_start3A_409 = tpu.memref_slice %arg12[%add3A_407, %dma_start3A_408] : memref<16384x128xf32, #tpu.memory_space<hbm>> -> memref<128x128xf32, #tpu.memory_space<hbm>>
    %dma_start3A_410 = arith.constant 0 : i32
    %dma_start3A_411 = tpu.memref_slice %arg12[%add3A_407, %dma_start3A_410] : memref<16384x128xf32, #tpu.memory_space<hbm>> -> memref<128x128xf32, #tpu.memory_space<hbm>>
    tpu.enqueue_dma source(%arg16 : memref<128x128xf32, #tpu.memory_space<vmem>>) target(%dma_start3A_411 : memref<128x128xf32, #tpu.memory_space<hbm>>) target_semaphore(%arg20 : memref<!tpu.dma_semaphore, #tpu.memory_space<semaphore_mem>>)
    %dma_wait3A_412 = arith.constant 0 : i32
    %dma_wait3A_413 = tpu.memref_slice %arg12[%add3A_407, %dma_wait3A_412] : memref<16384x128xf32, #tpu.memory_space<hbm>> -> memref<128x128xf32, #tpu.memory_space<hbm>>
    %dma_wait3A_414 = arith.constant 0 : i32
    %dma_wait3A_415 = tpu.memref_slice %arg12[%add3A_407, %dma_wait3A_414] : memref<16384x128xf32, #tpu.memory_space<hbm>> -> memref<128x128xf32, #tpu.memory_space<hbm>>
    tpu.wait_dma2 semaphore(%arg20 : memref<!tpu.dma_semaphore, #tpu.memory_space<semaphore_mem>>) src(%arg16 : memref<128x128xf32, #tpu.memory_space<vmem>>) dst(%dma_wait3A_415 : memref<128x128xf32, #tpu.memory_space<hbm>>)
    %dma_start3A_416 = arith.constant 2 : i32
    %dma_start3A_417 = arith.constant 0 : i32
    %dma_start3A_418 = tpu.memref_slice %arg15[%dma_start3A_416, %dma_start3A_417] : memref<4x128xi32, #tpu.memory_space<vmem>> -> memref<1x128xi32, #tpu.memory_space<vmem>>
    %dma_start3A_419 = tpu.memref_squeeze %dma_start3A_418 : memref<1x128xi32, #tpu.memory_space<vmem>> -> memref<128xi32, #tpu.memory_space<vmem>>
    %dma_start3A_420 = arith.constant 0 : i32
    %dma_start3A_421 = arith.constant 0 : i32
    %dma_start3A_422 = tpu.memref_slice %arg4[%dma_start3A_420, %dma_start3A_421] : memref<1000x128xf32, #tpu.memory_space<hbm>> -> memref<1000x128xf32, #tpu.memory_space<hbm>>
    tpu.enqueue_indirect_dma source(%dma_start3A_422 : memref<1000x128xf32, #tpu.memory_space<hbm>>) target(%arg16 : memref<128x128xf32, #tpu.memory_space<vmem>>) offsets(%dma_start3A_419 : memref<128xi32, #tpu.memory_space<vmem>>) semaphore(%arg18 : memref<!tpu.dma_semaphore, #tpu.memory_space<semaphore_mem>>)
    %dma_wait3A_423 = arith.constant 1 : i32
    %dma_wait3A_424 = arith.constant 0 : i32
    %dma_wait3A_425 = tpu.memref_slice %arg15[%dma_wait3A_423, %dma_wait3A_424] : memref<4x128xi32, #tpu.memory_space<vmem>> -> memref<1x128xi32, #tpu.memory_space<vmem>>
    %dma_wait3A_426 = tpu.memref_squeeze %dma_wait3A_425 : memref<1x128xi32, #tpu.memory_space<vmem>> -> memref<128xi32, #tpu.memory_space<vmem>>
    %dma_wait3A_427 = arith.constant 0 : i32
    %dma_wait3A_428 = arith.constant 0 : i32
    %dma_wait3A_429 = tpu.memref_slice %arg4[%dma_wait3A_427, %dma_wait3A_428] : memref<1000x128xf32, #tpu.memory_space<hbm>> -> memref<1000x128xf32, #tpu.memory_space<hbm>>
    tpu.wait_indirect_dma semaphore(%arg19 : memref<!tpu.dma_semaphore, #tpu.memory_space<semaphore_mem>>) src(%dma_wait3A_429 : memref<1000x128xf32, #tpu.memory_space<hbm>>) dst(%arg17 : memref<128x128xf32, #tpu.memory_space<vmem>>)
    %add3A_430 = arith.constant 128 : i32
    %add3A_431 = arith.addi %mul3A_2, %add3A_430 : i32
    %dma_start3A_432 = arith.constant 0 : i32
    %dma_start3A_433 = tpu.memref_slice %arg12[%add3A_431, %dma_start3A_432] : memref<16384x128xf32, #tpu.memory_space<hbm>> -> memref<128x128xf32, #tpu.memory_space<hbm>>
    %dma_start3A_434 = arith.constant 0 : i32
    %dma_start3A_435 = tpu.memref_slice %arg12[%add3A_431, %dma_start3A_434] : memref<16384x128xf32, #tpu.memory_space<hbm>> -> memref<128x128xf32, #tpu.memory_space<hbm>>
    tpu.enqueue_dma source(%arg17 : memref<128x128xf32, #tpu.memory_space<vmem>>) target(%dma_start3A_435 : memref<128x128xf32, #tpu.memory_space<hbm>>) target_semaphore(%arg21 : memref<!tpu.dma_semaphore, #tpu.memory_space<semaphore_mem>>)
    %dma_wait3A_436 = arith.constant 0 : i32
    %dma_wait3A_437 = tpu.memref_slice %arg12[%add3A_431, %dma_wait3A_436] : memref<16384x128xf32, #tpu.memory_space<hbm>> -> memref<128x128xf32, #tpu.memory_space<hbm>>
    %dma_wait3A_438 = arith.constant 0 : i32
    %dma_wait3A_439 = tpu.memref_slice %arg12[%add3A_431, %dma_wait3A_438] : memref<16384x128xf32, #tpu.memory_space<hbm>> -> memref<128x128xf32, #tpu.memory_space<hbm>>
    tpu.wait_dma2 semaphore(%arg21 : memref<!tpu.dma_semaphore, #tpu.memory_space<semaphore_mem>>) src(%arg17 : memref<128x128xf32, #tpu.memory_space<vmem>>) dst(%dma_wait3A_439 : memref<128x128xf32, #tpu.memory_space<hbm>>)
    %dma_start3A_440 = arith.constant 3 : i32
    %dma_start3A_441 = arith.constant 0 : i32
    %dma_start3A_442 = tpu.memref_slice %arg15[%dma_start3A_440, %dma_start3A_441] : memref<4x128xi32, #tpu.memory_space<vmem>> -> memref<1x128xi32, #tpu.memory_space<vmem>>
    %dma_start3A_443 = tpu.memref_squeeze %dma_start3A_442 : memref<1x128xi32, #tpu.memory_space<vmem>> -> memref<128xi32, #tpu.memory_space<vmem>>
    %dma_start3A_444 = arith.constant 0 : i32
    %dma_start3A_445 = arith.constant 0 : i32
    %dma_start3A_446 = tpu.memref_slice %arg4[%dma_start3A_444, %dma_start3A_445] : memref<1000x128xf32, #tpu.memory_space<hbm>> -> memref<1000x128xf32, #tpu.memory_space<hbm>>
    tpu.enqueue_indirect_dma source(%dma_start3A_446 : memref<1000x128xf32, #tpu.memory_space<hbm>>) target(%arg17 : memref<128x128xf32, #tpu.memory_space<vmem>>) offsets(%dma_start3A_443 : memref<128xi32, #tpu.memory_space<vmem>>) semaphore(%arg19 : memref<!tpu.dma_semaphore, #tpu.memory_space<semaphore_mem>>)
    %dma_wait3A_447 = arith.constant 2 : i32
    %dma_wait3A_448 = arith.constant 0 : i32
    %dma_wait3A_449 = tpu.memref_slice %arg15[%dma_wait3A_447, %dma_wait3A_448] : memref<4x128xi32, #tpu.memory_space<vmem>> -> memref<1x128xi32, #tpu.memory_space<vmem>>
    %dma_wait3A_450 = tpu.memref_squeeze %dma_wait3A_449 : memref<1x128xi32, #tpu.memory_space<vmem>> -> memref<128xi32, #tpu.memory_space<vmem>>
    %dma_wait3A_451 = arith.constant 0 : i32
    %dma_wait3A_452 = arith.constant 0 : i32
    %dma_wait3A_453 = tpu.memref_slice %arg4[%dma_wait3A_451, %dma_wait3A_452] : memref<1000x128xf32, #tpu.memory_space<hbm>> -> memref<1000x128xf32, #tpu.memory_space<hbm>>
    tpu.wait_indirect_dma semaphore(%arg18 : memref<!tpu.dma_semaphore, #tpu.memory_space<semaphore_mem>>) src(%dma_wait3A_453 : memref<1000x128xf32, #tpu.memory_space<hbm>>) dst(%arg16 : memref<128x128xf32, #tpu.memory_space<vmem>>)
    %add3A_454 = arith.constant 256 : i32
    %add3A_455 = arith.addi %mul3A_2, %add3A_454 : i32
    %dma_start3A_456 = arith.constant 0 : i32
    %dma_start3A_457 = tpu.memref_slice %arg12[%add3A_455, %dma_start3A_456] : memref<16384x128xf32, #tpu.memory_space<hbm>> -> memref<128x128xf32, #tpu.memory_space<hbm>>
    %dma_start3A_458 = arith.constant 0 : i32
    %dma_start3A_459 = tpu.memref_slice %arg12[%add3A_455, %dma_start3A_458] : memref<16384x128xf32, #tpu.memory_space<hbm>> -> memref<128x128xf32, #tpu.memory_space<hbm>>
    tpu.enqueue_dma source(%arg16 : memref<128x128xf32, #tpu.memory_space<vmem>>) target(%dma_start3A_459 : memref<128x128xf32, #tpu.memory_space<hbm>>) target_semaphore(%arg20 : memref<!tpu.dma_semaphore, #tpu.memory_space<semaphore_mem>>)
    %dma_wait3A_460 = arith.constant 3 : i32
    %dma_wait3A_461 = arith.constant 0 : i32
    %dma_wait3A_462 = tpu.memref_slice %arg15[%dma_wait3A_460, %dma_wait3A_461] : memref<4x128xi32, #tpu.memory_space<vmem>> -> memref<1x128xi32, #tpu.memory_space<vmem>>
    %dma_wait3A_463 = tpu.memref_squeeze %dma_wait3A_462 : memref<1x128xi32, #tpu.memory_space<vmem>> -> memref<128xi32, #tpu.memory_space<vmem>>
    %dma_wait3A_464 = arith.constant 0 : i32
    %dma_wait3A_465 = arith.constant 0 : i32
    %dma_wait3A_466 = tpu.memref_slice %arg4[%dma_wait3A_464, %dma_wait3A_465] : memref<1000x128xf32, #tpu.memory_space<hbm>> -> memref<1000x128xf32, #tpu.memory_space<hbm>>
    tpu.wait_indirect_dma semaphore(%arg19 : memref<!tpu.dma_semaphore, #tpu.memory_space<semaphore_mem>>) src(%dma_wait3A_466 : memref<1000x128xf32, #tpu.memory_space<hbm>>) dst(%arg17 : memref<128x128xf32, #tpu.memory_space<vmem>>)
    %add3A_467 = arith.constant 384 : i32
    %add3A_468 = arith.addi %mul3A_2, %add3A_467 : i32
    %dma_start3A_469 = arith.constant 0 : i32
    %dma_start3A_470 = tpu.memref_slice %arg12[%add3A_468, %dma_start3A_469] : memref<16384x128xf32, #tpu.memory_space<hbm>> -> memref<128x128xf32, #tpu.memory_space<hbm>>
    %dma_start3A_471 = arith.constant 0 : i32
    %dma_start3A_472 = tpu.memref_slice %arg12[%add3A_468, %dma_start3A_471] : memref<16384x128xf32, #tpu.memory_space<hbm>> -> memref<128x128xf32, #tpu.memory_space<hbm>>
    tpu.enqueue_dma source(%arg17 : memref<128x128xf32, #tpu.memory_space<vmem>>) target(%dma_start3A_472 : memref<128x128xf32, #tpu.memory_space<hbm>>) target_semaphore(%arg21 : memref<!tpu.dma_semaphore, #tpu.memory_space<semaphore_mem>>)
    %dma_wait3A_473 = arith.constant 0 : i32
    %dma_wait3A_474 = tpu.memref_slice %arg12[%add3A_455, %dma_wait3A_473] : memref<16384x128xf32, #tpu.memory_space<hbm>> -> memref<128x128xf32, #tpu.memory_space<hbm>>
    %dma_wait3A_475 = arith.constant 0 : i32
    %dma_wait3A_476 = tpu.memref_slice %arg12[%add3A_455, %dma_wait3A_475] : memref<16384x128xf32, #tpu.memory_space<hbm>> -> memref<128x128xf32, #tpu.memory_space<hbm>>
    tpu.wait_dma2 semaphore(%arg20 : memref<!tpu.dma_semaphore, #tpu.memory_space<semaphore_mem>>) src(%arg16 : memref<128x128xf32, #tpu.memory_space<vmem>>) dst(%dma_wait3A_476 : memref<128x128xf32, #tpu.memory_space<hbm>>)
    %dma_wait3A_477 = arith.constant 0 : i32
    %dma_wait3A_478 = tpu.memref_slice %arg12[%add3A_468, %dma_wait3A_477] : memref<16384x128xf32, #tpu.memory_space<hbm>> -> memref<128x128xf32, #tpu.memory_space<hbm>>
    %dma_wait3A_479 = arith.constant 0 : i32
    %dma_wait3A_480 = tpu.memref_slice %arg12[%add3A_468, %dma_wait3A_479] : memref<16384x128xf32, #tpu.memory_space<hbm>> -> memref<128x128xf32, #tpu.memory_space<hbm>>
    tpu.wait_dma2 semaphore(%arg21 : memref<!tpu.dma_semaphore, #tpu.memory_space<semaphore_mem>>) src(%arg17 : memref<128x128xf32, #tpu.memory_space<vmem>>) dst(%dma_wait3A_480 : memref<128x128xf32, #tpu.memory_space<hbm>>)
    return
  }
}

module attributes {stable_mosaic.version = 14 : i64} {
  func.func @_tpack_kernel(%arg0: i32, %arg1: memref<32x8192xf32, #tpu.memory_space<vmem>>, %arg2: memref<32x8192xf32, #tpu.memory_space<vmem>>, %arg3: memref<2048x128xf32, #tpu.memory_space<vmem>>, %arg4: memref<2048x128xf32, #tpu.memory_space<vmem>>) attributes {dimension_semantics = [#tpu.dimension_semantics<arbitrary>], iteration_bounds = array<i64: 123>, scalar_prefetch = 0 : i64, scratch_operands = 0 : i64, tpu.core_type = #tpu.core_type<tc>, window_params = [{transform_indices = @transform_0, window_bounds = array<i64: 32, 8192>}, {transform_indices = @transform_1, window_bounds = array<i64: 32, 8192>}, {transform_indices = @transform_2, window_bounds = array<i64: 2048, 128>}, {transform_indices = @transform_3, window_bounds = array<i64: 2048, 128>}]} {
    %get3A = arith.constant 0 : index
    %get3A_0 = arith.constant 0 : index
    %get3A_1 = vector.load %arg1[%get3A, %get3A_0] : memref<32x8192xf32, #tpu.memory_space<vmem>>, vector<32x2048xf32>
    %transpose3A = tpu.transpose %get3A_1, [1, 0] : vector<32x2048xf32> -> vector<2048x32xf32>
    %get3A_2 = arith.constant 0 : index
    %get3A_3 = arith.constant 2048 : index
    %get3A_4 = vector.load %arg1[%get3A_2, %get3A_3] : memref<32x8192xf32, #tpu.memory_space<vmem>>, vector<32x2048xf32>
    %transpose3A_5 = tpu.transpose %get3A_4, [1, 0] : vector<32x2048xf32> -> vector<2048x32xf32>
    %get3A_6 = arith.constant 0 : index
    %get3A_7 = arith.constant 4096 : index
    %get3A_8 = vector.load %arg1[%get3A_6, %get3A_7] : memref<32x8192xf32, #tpu.memory_space<vmem>>, vector<32x2048xf32>
    %transpose3A_9 = tpu.transpose %get3A_8, [1, 0] : vector<32x2048xf32> -> vector<2048x32xf32>
    %get3A_10 = arith.constant 0 : index
    %get3A_11 = arith.constant 6144 : index
    %get3A_12 = vector.load %arg1[%get3A_10, %get3A_11] : memref<32x8192xf32, #tpu.memory_space<vmem>>, vector<32x2048xf32>
    %transpose3A_13 = tpu.transpose %get3A_12, [1, 0] : vector<32x2048xf32> -> vector<2048x32xf32>
    %concatenate3A = tpu.concatenate %transpose3A, %transpose3A_5, %transpose3A_9, %transpose3A_13 in 1 : vector<2048x32xf32>, vector<2048x32xf32>, vector<2048x32xf32>, vector<2048x32xf32> -> vector<2048x128xf32>
    %swap3A = arith.constant 0 : index
    %swap3A_14 = arith.constant 0 : index
    %swap3A_15 = vector.load %arg3[%swap3A, %swap3A_14] : memref<2048x128xf32, #tpu.memory_space<vmem>>, vector<2048x128xf32>
    tpu.vector_store %arg3[%swap3A, %swap3A_14], %concatenate3A {strides = array<i32>} : memref<2048x128xf32, #tpu.memory_space<vmem>>, vector<2048x128xf32>,
    %get3A_16 = arith.constant 0 : index
    %get3A_17 = arith.constant 0 : index
    %get3A_18 = vector.load %arg2[%get3A_16, %get3A_17] : memref<32x8192xf32, #tpu.memory_space<vmem>>, vector<32x2048xf32>
    %transpose3A_19 = tpu.transpose %get3A_18, [1, 0] : vector<32x2048xf32> -> vector<2048x32xf32>
    %get3A_20 = arith.constant 0 : index
    %get3A_21 = arith.constant 2048 : index
    %get3A_22 = vector.load %arg2[%get3A_20, %get3A_21] : memref<32x8192xf32, #tpu.memory_space<vmem>>, vector<32x2048xf32>
    %transpose3A_23 = tpu.transpose %get3A_22, [1, 0] : vector<32x2048xf32> -> vector<2048x32xf32>
    %get3A_24 = arith.constant 0 : index
    %get3A_25 = arith.constant 4096 : index
    %get3A_26 = vector.load %arg2[%get3A_24, %get3A_25] : memref<32x8192xf32, #tpu.memory_space<vmem>>, vector<32x2048xf32>
    %transpose3A_27 = tpu.transpose %get3A_26, [1, 0] : vector<32x2048xf32> -> vector<2048x32xf32>
    %get3A_28 = arith.constant 0 : index
    %get3A_29 = arith.constant 6144 : index
    %get3A_30 = vector.load %arg2[%get3A_28, %get3A_29] : memref<32x8192xf32, #tpu.memory_space<vmem>>, vector<32x2048xf32>
    %transpose3A_31 = tpu.transpose %get3A_30, [1, 0] : vector<32x2048xf32> -> vector<2048x32xf32>
    %concatenate3A_32 = tpu.concatenate %transpose3A_19, %transpose3A_23, %transpose3A_27, %transpose3A_31 in 1 : vector<2048x32xf32>, vector<2048x32xf32>, vector<2048x32xf32>, vector<2048x32xf32> -> vector<2048x128xf32>
    %swap3A_33 = arith.constant 0 : index
    %swap3A_34 = arith.constant 0 : index
    %swap3A_35 = vector.load %arg4[%swap3A_33, %swap3A_34] : memref<2048x128xf32, #tpu.memory_space<vmem>>, vector<2048x128xf32>
    tpu.vector_store %arg4[%swap3A_33, %swap3A_34], %concatenate3A_32 {strides = array<i32>} : memref<2048x128xf32, #tpu.memory_space<vmem>>, vector<2048x128xf32>,
    return
  }
  func.func @transform_0(%arg0: i32) -> (i32, i32) {
    %c0_i32 = arith.constant 0 : i32
    %c0_i32_0 = arith.constant 0 : i32
    return %c0_i32, %arg0 : i32, i32
  }
  func.func @transform_1(%arg0: i32) -> (i32, i32) {
    %c0_i32 = arith.constant 0 : i32
    %c0_i32_0 = arith.constant 0 : i32
    return %c0_i32, %arg0 : i32, i32
  }
  func.func @transform_2(%arg0: i32) -> (i32, i32) {
    %c0_i32 = arith.constant 0 : i32
    %c0_i32_0 = arith.constant 0 : i32
    return %arg0, %c0_i32 : i32, i32
  }
  func.func @transform_3(%arg0: i32) -> (i32, i32) {
    %c0_i32 = arith.constant 0 : i32
    %c0_i32_0 = arith.constant 0 : i32
    return %arg0, %c0_i32 : i32, i32
  }
}

module attributes {stable_mosaic.version = 14 : i64} {
  func.func @_rel_pack_kernel(%arg0: memref<1000x64xf32, #tpu.memory_space<vmem>>, %arg1: memref<1000x64xf32, #tpu.memory_space<vmem>>, %arg2: memref<1000x2xf32, #tpu.memory_space<vmem>>, %arg3: memref<1000x128xf32, #tpu.memory_space<vmem>>) attributes {dimension_semantics = [], scalar_prefetch = 0 : i64, scratch_operands = 0 : i64, tpu.core_type = #tpu.core_type<tc>} {
    %get3A = arith.constant 0 : index
    %get3A_0 = arith.constant 0 : index
    %get3A_1 = vector.load %arg0[%get3A, %get3A_0] : memref<1000x64xf32, #tpu.memory_space<vmem>>, vector<1000x64xf32>
    %get3A_2 = arith.constant 0 : index
    %get3A_3 = arith.constant 0 : index
    %get3A_4 = vector.load %arg1[%get3A_2, %get3A_3] : memref<1000x64xf32, #tpu.memory_space<vmem>>, vector<1000x64xf32>
    %get3A_5 = arith.constant 0 : index
    %get3A_6 = arith.constant 0 : index
    %get3A_7 = vector.load %arg2[%get3A_5, %get3A_6] : memref<1000x2xf32, #tpu.memory_space<vmem>>, vector<1000x2xf32>
    %gt3A = arith.constant 0.000000e+00 : f32
    %gt3A_8 = vector.broadcast %gt3A : f32 to vector<1000x2xf32>
    %gt3A_9 = arith.cmpf ogt, %get3A_7, %gt3A_8 : vector<1000x2xf32>
    %exp3A = math.exp %get3A_7 : vector<1000x2xf32>
    %sub3A = arith.constant 1.000000e+00 : f32
    %sub3A_10 = vector.broadcast %sub3A : f32 to vector<1000x2xf32>
    %sub3A_11 = arith.subf %exp3A, %sub3A_10 : vector<1000x2xf32>
    %select_n3A = arith.select %gt3A_9, %get3A_7, %sub3A_11 : vector<1000x2xi1>, vector<1000x2xf32>
    %add3A = arith.constant 1.000000e+00 : f32
    %add3A_12 = vector.broadcast %add3A : f32 to vector<1000x2xf32>
    %add3A_13 = arith.addf %select_n3A, %add3A_12 : vector<1000x2xf32>
    %slice3A = vector.extract_strided_slice %add3A_13 {offsets = [0, 0], sizes = [1000, 1], strides = [1, 1]} : vector<1000x2xf32> to vector<1000x1xf32>
    %slice3A_14 = vector.extract_strided_slice %get3A_4 {offsets = [0, 0], sizes = [1000, 32], strides = [1, 1]} : vector<1000x64xf32> to vector<1000x32xf32>
    %abs3A = math.absf %slice3A_14 : vector<1000x32xf32>
    %add3A_15 = arith.constant 9.99999993E-9 : f32
    %add3A_16 = vector.broadcast %add3A_15 : f32 to vector<1000x32xf32>
    %add3A_17 = arith.addf %abs3A, %add3A_16 : vector<1000x32xf32>
    %log3A = math.log %add3A_17 : vector<1000x32xf32>
    %reduce_sum3A = arith.constant dense<0.000000e+00> : vector<1000xf32>
    %reduce_sum3A_18 = vector.multi_reduction <add>, %log3A, %reduce_sum3A [1] : vector<1000x32xf32> to vector<1000xf32>
    %broadcast_in_dim3A = vector.shape_cast %reduce_sum3A_18 : vector<1000xf32> to vector<1000x1xf32>
    %div3A = arith.constant 3.200000e+01 : f32
    %div3A_19 = vector.broadcast %div3A : f32 to vector<1000x1xf32>
    %div3A_20 = arith.divf %broadcast_in_dim3A, %div3A_19 : vector<1000x1xf32>
    %exp3A_21 = math.exp %div3A_20 : vector<1000x1xf32>
    %div3A_22 = vector.broadcast %exp3A_21 : vector<1000x1xf32> to vector<1000x32xf32>
    %div3A_23 = arith.divf %slice3A_14, %div3A_22 : vector<1000x32xf32>
    %mul3A = vector.broadcast %slice3A : vector<1000x1xf32> to vector<1000x32xf32>
    %mul3A_24 = arith.mulf %mul3A, %div3A_23 : vector<1000x32xf32>
    %slice3A_25 = vector.extract_strided_slice %add3A_13 {offsets = [0, 1], sizes = [1000, 1], strides = [1, 1]} : vector<1000x2xf32> to vector<1000x1xf32>
    %slice3A_26 = vector.extract_strided_slice %get3A_4 {offsets = [0, 32], sizes = [1000, 32], strides = [1, 1]} : vector<1000x64xf32> to vector<1000x32xf32>
    %abs3A_27 = math.absf %slice3A_26 : vector<1000x32xf32>
    %add3A_28 = arith.constant 9.99999993E-9 : f32
    %add3A_29 = vector.broadcast %add3A_28 : f32 to vector<1000x32xf32>
    %add3A_30 = arith.addf %abs3A_27, %add3A_29 : vector<1000x32xf32>
    %log3A_31 = math.log %add3A_30 : vector<1000x32xf32>
    %reduce_sum3A_32 = arith.constant dense<0.000000e+00> : vector<1000xf32>
    %reduce_sum3A_33 = vector.multi_reduction <add>, %log3A_31, %reduce_sum3A_32 [1] : vector<1000x32xf32> to vector<1000xf32>
    %broadcast_in_dim3A_34 = vector.shape_cast %reduce_sum3A_33 : vector<1000xf32> to vector<1000x1xf32>
    %div3A_35 = arith.constant 3.200000e+01 : f32
    %div3A_36 = vector.broadcast %div3A_35 : f32 to vector<1000x1xf32>
    %div3A_37 = arith.divf %broadcast_in_dim3A_34, %div3A_36 : vector<1000x1xf32>
    %exp3A_38 = math.exp %div3A_37 : vector<1000x1xf32>
    %div3A_39 = vector.broadcast %exp3A_38 : vector<1000x1xf32> to vector<1000x32xf32>
    %div3A_40 = arith.divf %slice3A_26, %div3A_39 : vector<1000x32xf32>
    %mul3A_41 = vector.broadcast %slice3A_25 : vector<1000x1xf32> to vector<1000x32xf32>
    %mul3A_42 = arith.mulf %mul3A_41, %div3A_40 : vector<1000x32xf32>
    %concatenate3A = tpu.concatenate %get3A_1, %mul3A_24, %mul3A_42 in 1 : vector<1000x64xf32>, vector<1000x32xf32>, vector<1000x32xf32> -> vector<1000x128xf32>
    %swap3A = arith.constant 0 : index
    %swap3A_43 = arith.constant 0 : index
    %swap3A_44 = vector.load %arg3[%swap3A, %swap3A_43] : memref<1000x128xf32, #tpu.memory_space<vmem>>, vector<1000x128xf32>
    tpu.vector_store %arg3[%swap3A, %swap3A_43], %concatenate3A {strides = array<i32>} : memref<1000x128xf32, #tpu.memory_space<vmem>>, vector<1000x128xf32>,
    return
  }
}

module attributes {stable_mosaic.version = 14 : i64} {
  func.func @_tc_math_kernel(%arg0: i32, %arg1: memref<2048x128xf32, #tpu.memory_space<vmem>>, %arg2: memref<2048x128xf32, #tpu.memory_space<vmem>>, %arg3: memref<2048x128xf32, #tpu.memory_space<vmem>>, %arg4: memref<2048x128xf32, #tpu.memory_space<vmem>>, %arg5: memref<2048x128xf32, #tpu.memory_space<vmem>>, %arg6: memref<2048x1xi32, #tpu.memory_space<vmem>>, %arg7: memref<2048x1xi32, #tpu.memory_space<vmem>>, %arg8: memref<2048xf32, #tpu.memory_space<vmem>>) attributes {dimension_semantics = [#tpu.dimension_semantics<arbitrary>], iteration_bounds = array<i64: 8>, scalar_prefetch = 0 : i64, scratch_operands = 0 : i64, tpu.core_type = #tpu.core_type<tc>, window_params = [{transform_indices = @transform_0, window_bounds = array<i64: 2048, 128>}, {transform_indices = @transform_1, window_bounds = array<i64: 2048, 128>}, {transform_indices = @transform_2, window_bounds = array<i64: 2048, 128>}, {transform_indices = @transform_3, window_bounds = array<i64: 2048, 128>}, {transform_indices = @transform_4, window_bounds = array<i64: 2048, 128>}, {transform_indices = @transform_5, window_bounds = array<i64: 2048, 1>}, {transform_indices = @transform_6, window_bounds = array<i64: 2048, 1>}, {transform_indices = @transform_7, window_bounds = array<i64: 2048>}]} {
    %get3A = arith.constant 0 : index
    %get3A_0 = arith.constant 0 : index
    %get3A_1 = vector.load %arg6[%get3A, %get3A_0] : memref<2048x1xi32, #tpu.memory_space<vmem>>, vector<2048x1xi32>
    %get3A_2 = arith.constant 0 : index
    %get3A_3 = arith.constant 0 : index
    %get3A_4 = vector.load %arg7[%get3A_2, %get3A_3] : memref<2048x1xi32, #tpu.memory_space<vmem>>, vector<2048x1xi32>
    %get3A_5 = arith.constant 0 : index
    %get3A_6 = arith.constant 0 : index
    %get3A_7 = vector.load %arg1[%get3A_5, %get3A_6] : memref<2048x128xf32, #tpu.memory_space<vmem>>, vector<2048x128xf32>
    %slice3A = vector.extract_strided_slice %get3A_7 {offsets = [0, 0], sizes = [2048, 32], strides = [1, 1]} : vector<2048x128xf32> to vector<2048x32xf32>
    %eq3A = arith.constant 0 : i32
    %eq3A_8 = vector.broadcast %eq3A : i32 to vector<2048x1xi32>
    %eq3A_9 = arith.cmpi eq, %get3A_1, %eq3A_8 : vector<2048x1xi32>
    %convert_element_type3A = arith.extui %eq3A_9 : vector<2048x1xi1> to vector<2048x1xi32>
    %convert_element_type3A_10 = arith.sitofp %convert_element_type3A : vector<2048x1xi32> to vector<2048x1xf32>
    %mul3A = vector.broadcast %convert_element_type3A_10 : vector<2048x1xf32> to vector<2048x32xf32>
    %mul3A_11 = arith.mulf %slice3A, %mul3A : vector<2048x32xf32>
    %slice3A_12 = vector.extract_strided_slice %get3A_7 {offsets = [0, 32], sizes = [2048, 32], strides = [1, 1]} : vector<2048x128xf32> to vector<2048x32xf32>
    %eq3A_13 = arith.constant 1 : i32
    %eq3A_14 = vector.broadcast %eq3A_13 : i32 to vector<2048x1xi32>
    %eq3A_15 = arith.cmpi eq, %get3A_1, %eq3A_14 : vector<2048x1xi32>
    %convert_element_type3A_16 = arith.extui %eq3A_15 : vector<2048x1xi1> to vector<2048x1xi32>
    %convert_element_type3A_17 = arith.sitofp %convert_element_type3A_16 : vector<2048x1xi32> to vector<2048x1xf32>
    %mul3A_18 = vector.broadcast %convert_element_type3A_17 : vector<2048x1xf32> to vector<2048x32xf32>
    %mul3A_19 = arith.mulf %slice3A_12, %mul3A_18 : vector<2048x32xf32>
    %add3A = arith.addf %mul3A_11, %mul3A_19 : vector<2048x32xf32>
    %slice3A_20 = vector.extract_strided_slice %get3A_7 {offsets = [0, 64], sizes = [2048, 32], strides = [1, 1]} : vector<2048x128xf32> to vector<2048x32xf32>
    %eq3A_21 = arith.constant 2 : i32
    %eq3A_22 = vector.broadcast %eq3A_21 : i32 to vector<2048x1xi32>
    %eq3A_23 = arith.cmpi eq, %get3A_1, %eq3A_22 : vector<2048x1xi32>
    %convert_element_type3A_24 = arith.extui %eq3A_23 : vector<2048x1xi1> to vector<2048x1xi32>
    %convert_element_type3A_25 = arith.sitofp %convert_element_type3A_24 : vector<2048x1xi32> to vector<2048x1xf32>
    %mul3A_26 = vector.broadcast %convert_element_type3A_25 : vector<2048x1xf32> to vector<2048x32xf32>
    %mul3A_27 = arith.mulf %slice3A_20, %mul3A_26 : vector<2048x32xf32>
    %add3A_28 = arith.addf %add3A, %mul3A_27 : vector<2048x32xf32>
    %slice3A_29 = vector.extract_strided_slice %get3A_7 {offsets = [0, 96], sizes = [2048, 32], strides = [1, 1]} : vector<2048x128xf32> to vector<2048x32xf32>
    %eq3A_30 = arith.constant 3 : i32
    %eq3A_31 = vector.broadcast %eq3A_30 : i32 to vector<2048x1xi32>
    %eq3A_32 = arith.cmpi eq, %get3A_1, %eq3A_31 : vector<2048x1xi32>
    %convert_element_type3A_33 = arith.extui %eq3A_32 : vector<2048x1xi1> to vector<2048x1xi32>
    %convert_element_type3A_34 = arith.sitofp %convert_element_type3A_33 : vector<2048x1xi32> to vector<2048x1xf32>
    %mul3A_35 = vector.broadcast %convert_element_type3A_34 : vector<2048x1xf32> to vector<2048x32xf32>
    %mul3A_36 = arith.mulf %slice3A_29, %mul3A_35 : vector<2048x32xf32>
    %add3A_37 = arith.addf %add3A_28, %mul3A_36 : vector<2048x32xf32>
    %get3A_38 = arith.constant 0 : index
    %get3A_39 = arith.constant 0 : index
    %get3A_40 = vector.load %arg2[%get3A_38, %get3A_39] : memref<2048x128xf32, #tpu.memory_space<vmem>>, vector<2048x128xf32>
    %slice3A_41 = vector.extract_strided_slice %get3A_40 {offsets = [0, 0], sizes = [2048, 32], strides = [1, 1]} : vector<2048x128xf32> to vector<2048x32xf32>
    %eq3A_42 = arith.constant 0 : i32
    %eq3A_43 = vector.broadcast %eq3A_42 : i32 to vector<2048x1xi32>
    %eq3A_44 = arith.cmpi eq, %get3A_4, %eq3A_43 : vector<2048x1xi32>
    %convert_element_type3A_45 = arith.extui %eq3A_44 : vector<2048x1xi1> to vector<2048x1xi32>
    %convert_element_type3A_46 = arith.sitofp %convert_element_type3A_45 : vector<2048x1xi32> to vector<2048x1xf32>
    %mul3A_47 = vector.broadcast %convert_element_type3A_46 : vector<2048x1xf32> to vector<2048x32xf32>
    %mul3A_48 = arith.mulf %slice3A_41, %mul3A_47 : vector<2048x32xf32>
    %slice3A_49 = vector.extract_strided_slice %get3A_40 {offsets = [0, 32], sizes = [2048, 32], strides = [1, 1]} : vector<2048x128xf32> to vector<2048x32xf32>
    %eq3A_50 = arith.constant 1 : i32
    %eq3A_51 = vector.broadcast %eq3A_50 : i32 to vector<2048x1xi32>
    %eq3A_52 = arith.cmpi eq, %get3A_4, %eq3A_51 : vector<2048x1xi32>
    %convert_element_type3A_53 = arith.extui %eq3A_52 : vector<2048x1xi1> to vector<2048x1xi32>
    %convert_element_type3A_54 = arith.sitofp %convert_element_type3A_53 : vector<2048x1xi32> to vector<2048x1xf32>
    %mul3A_55 = vector.broadcast %convert_element_type3A_54 : vector<2048x1xf32> to vector<2048x32xf32>
    %mul3A_56 = arith.mulf %slice3A_49, %mul3A_55 : vector<2048x32xf32>
    %add3A_57 = arith.addf %mul3A_48, %mul3A_56 : vector<2048x32xf32>
    %slice3A_58 = vector.extract_strided_slice %get3A_40 {offsets = [0, 64], sizes = [2048, 32], strides = [1, 1]} : vector<2048x128xf32> to vector<2048x32xf32>
    %eq3A_59 = arith.constant 2 : i32
    %eq3A_60 = vector.broadcast %eq3A_59 : i32 to vector<2048x1xi32>
    %eq3A_61 = arith.cmpi eq, %get3A_4, %eq3A_60 : vector<2048x1xi32>
    %convert_element_type3A_62 = arith.extui %eq3A_61 : vector<2048x1xi1> to vector<2048x1xi32>
    %convert_element_type3A_63 = arith.sitofp %convert_element_type3A_62 : vector<2048x1xi32> to vector<2048x1xf32>
    %mul3A_64 = vector.broadcast %convert_element_type3A_63 : vector<2048x1xf32> to vector<2048x32xf32>
    %mul3A_65 = arith.mulf %slice3A_58, %mul3A_64 : vector<2048x32xf32>
    %add3A_66 = arith.addf %add3A_57, %mul3A_65 : vector<2048x32xf32>
    %slice3A_67 = vector.extract_strided_slice %get3A_40 {offsets = [0, 96], sizes = [2048, 32], strides = [1, 1]} : vector<2048x128xf32> to vector<2048x32xf32>
    %eq3A_68 = arith.constant 3 : i32
    %eq3A_69 = vector.broadcast %eq3A_68 : i32 to vector<2048x1xi32>
    %eq3A_70 = arith.cmpi eq, %get3A_4, %eq3A_69 : vector<2048x1xi32>
    %convert_element_type3A_71 = arith.extui %eq3A_70 : vector<2048x1xi1> to vector<2048x1xi32>
    %convert_element_type3A_72 = arith.sitofp %convert_element_type3A_71 : vector<2048x1xi32> to vector<2048x1xf32>
    %mul3A_73 = vector.broadcast %convert_element_type3A_72 : vector<2048x1xf32> to vector<2048x32xf32>
    %mul3A_74 = arith.mulf %slice3A_67, %mul3A_73 : vector<2048x32xf32>
    %add3A_75 = arith.addf %add3A_66, %mul3A_74 : vector<2048x32xf32>
    %get3A_76 = arith.constant 0 : index
    %get3A_77 = arith.constant 0 : index
    %get3A_78 = vector.load %arg3[%get3A_76, %get3A_77] : memref<2048x128xf32, #tpu.memory_space<vmem>>, vector<2048x128xf32>
    %slice3A_79 = vector.extract_strided_slice %get3A_78 {offsets = [0, 0], sizes = [2048, 32], strides = [1, 1]} : vector<2048x128xf32> to vector<2048x32xf32>
    %eq3A_80 = arith.constant 0 : i32
    %eq3A_81 = vector.broadcast %eq3A_80 : i32 to vector<2048x1xi32>
    %eq3A_82 = arith.cmpi eq, %get3A_1, %eq3A_81 : vector<2048x1xi32>
    %convert_element_type3A_83 = arith.extui %eq3A_82 : vector<2048x1xi1> to vector<2048x1xi32>
    %convert_element_type3A_84 = arith.sitofp %convert_element_type3A_83 : vector<2048x1xi32> to vector<2048x1xf32>
    %mul3A_85 = vector.broadcast %convert_element_type3A_84 : vector<2048x1xf32> to vector<2048x32xf32>
    %mul3A_86 = arith.mulf %slice3A_79, %mul3A_85 : vector<2048x32xf32>
    %slice3A_87 = vector.extract_strided_slice %get3A_78 {offsets = [0, 32], sizes = [2048, 32], strides = [1, 1]} : vector<2048x128xf32> to vector<2048x32xf32>
    %eq3A_88 = arith.constant 1 : i32
    %eq3A_89 = vector.broadcast %eq3A_88 : i32 to vector<2048x1xi32>
    %eq3A_90 = arith.cmpi eq, %get3A_1, %eq3A_89 : vector<2048x1xi32>
    %convert_element_type3A_91 = arith.extui %eq3A_90 : vector<2048x1xi1> to vector<2048x1xi32>
    %convert_element_type3A_92 = arith.sitofp %convert_element_type3A_91 : vector<2048x1xi32> to vector<2048x1xf32>
    %mul3A_93 = vector.broadcast %convert_element_type3A_92 : vector<2048x1xf32> to vector<2048x32xf32>
    %mul3A_94 = arith.mulf %slice3A_87, %mul3A_93 : vector<2048x32xf32>
    %add3A_95 = arith.addf %mul3A_86, %mul3A_94 : vector<2048x32xf32>
    %slice3A_96 = vector.extract_strided_slice %get3A_78 {offsets = [0, 64], sizes = [2048, 32], strides = [1, 1]} : vector<2048x128xf32> to vector<2048x32xf32>
    %eq3A_97 = arith.constant 2 : i32
    %eq3A_98 = vector.broadcast %eq3A_97 : i32 to vector<2048x1xi32>
    %eq3A_99 = arith.cmpi eq, %get3A_1, %eq3A_98 : vector<2048x1xi32>
    %convert_element_type3A_100 = arith.extui %eq3A_99 : vector<2048x1xi1> to vector<2048x1xi32>
    %convert_element_type3A_101 = arith.sitofp %convert_element_type3A_100 : vector<2048x1xi32> to vector<2048x1xf32>
    %mul3A_102 = vector.broadcast %convert_element_type3A_101 : vector<2048x1xf32> to vector<2048x32xf32>
    %mul3A_103 = arith.mulf %slice3A_96, %mul3A_102 : vector<2048x32xf32>
    %add3A_104 = arith.addf %add3A_95, %mul3A_103 : vector<2048x32xf32>
    %slice3A_105 = vector.extract_strided_slice %get3A_78 {offsets = [0, 96], sizes = [2048, 32], strides = [1, 1]} : vector<2048x128xf32> to vector<2048x32xf32>
    %eq3A_106 = arith.constant 3 : i32
    %eq3A_107 = vector.broadcast %eq3A_106 : i32 to vector<2048x1xi32>
    %eq3A_108 = arith.cmpi eq, %get3A_1, %eq3A_107 : vector<2048x1xi32>
    %convert_element_type3A_109 = arith.extui %eq3A_108 : vector<2048x1xi1> to vector<2048x1xi32>
    %convert_element_type3A_110 = arith.sitofp %convert_element_type3A_109 : vector<2048x1xi32> to vector<2048x1xf32>
    %mul3A_111 = vector.broadcast %convert_element_type3A_110 : vector<2048x1xf32> to vector<2048x32xf32>
    %mul3A_112 = arith.mulf %slice3A_105, %mul3A_111 : vector<2048x32xf32>
    %add3A_113 = arith.addf %add3A_104, %mul3A_112 : vector<2048x32xf32>
    %get3A_114 = arith.constant 0 : index
    %get3A_115 = arith.constant 0 : index
    %get3A_116 = vector.load %arg4[%get3A_114, %get3A_115] : memref<2048x128xf32, #tpu.memory_space<vmem>>, vector<2048x128xf32>
    %slice3A_117 = vector.extract_strided_slice %get3A_116 {offsets = [0, 0], sizes = [2048, 32], strides = [1, 1]} : vector<2048x128xf32> to vector<2048x32xf32>
    %eq3A_118 = arith.constant 0 : i32
    %eq3A_119 = vector.broadcast %eq3A_118 : i32 to vector<2048x1xi32>
    %eq3A_120 = arith.cmpi eq, %get3A_4, %eq3A_119 : vector<2048x1xi32>
    %convert_element_type3A_121 = arith.extui %eq3A_120 : vector<2048x1xi1> to vector<2048x1xi32>
    %convert_element_type3A_122 = arith.sitofp %convert_element_type3A_121 : vector<2048x1xi32> to vector<2048x1xf32>
    %mul3A_123 = vector.broadcast %convert_element_type3A_122 : vector<2048x1xf32> to vector<2048x32xf32>
    %mul3A_124 = arith.mulf %slice3A_117, %mul3A_123 : vector<2048x32xf32>
    %slice3A_125 = vector.extract_strided_slice %get3A_116 {offsets = [0, 32], sizes = [2048, 32], strides = [1, 1]} : vector<2048x128xf32> to vector<2048x32xf32>
    %eq3A_126 = arith.constant 1 : i32
    %eq3A_127 = vector.broadcast %eq3A_126 : i32 to vector<2048x1xi32>
    %eq3A_128 = arith.cmpi eq, %get3A_4, %eq3A_127 : vector<2048x1xi32>
    %convert_element_type3A_129 = arith.extui %eq3A_128 : vector<2048x1xi1> to vector<2048x1xi32>
    %convert_element_type3A_130 = arith.sitofp %convert_element_type3A_129 : vector<2048x1xi32> to vector<2048x1xf32>
    %mul3A_131 = vector.broadcast %convert_element_type3A_130 : vector<2048x1xf32> to vector<2048x32xf32>
    %mul3A_132 = arith.mulf %slice3A_125, %mul3A_131 : vector<2048x32xf32>
    %add3A_133 = arith.addf %mul3A_124, %mul3A_132 : vector<2048x32xf32>
    %slice3A_134 = vector.extract_strided_slice %get3A_116 {offsets = [0, 64], sizes = [2048, 32], strides = [1, 1]} : vector<2048x128xf32> to vector<2048x32xf32>
    %eq3A_135 = arith.constant 2 : i32
    %eq3A_136 = vector.broadcast %eq3A_135 : i32 to vector<2048x1xi32>
    %eq3A_137 = arith.cmpi eq, %get3A_4, %eq3A_136 : vector<2048x1xi32>
    %convert_element_type3A_138 = arith.extui %eq3A_137 : vector<2048x1xi1> to vector<2048x1xi32>
    %convert_element_type3A_139 = arith.sitofp %convert_element_type3A_138 : vector<2048x1xi32> to vector<2048x1xf32>
    %mul3A_140 = vector.broadcast %convert_element_type3A_139 : vector<2048x1xf32> to vector<2048x32xf32>
    %mul3A_141 = arith.mulf %slice3A_134, %mul3A_140 : vector<2048x32xf32>
    %add3A_142 = arith.addf %add3A_133, %mul3A_141 : vector<2048x32xf32>
    %slice3A_143 = vector.extract_strided_slice %get3A_116 {offsets = [0, 96], sizes = [2048, 32], strides = [1, 1]} : vector<2048x128xf32> to vector<2048x32xf32>
    %eq3A_144 = arith.constant 3 : i32
    %eq3A_145 = vector.broadcast %eq3A_144 : i32 to vector<2048x1xi32>
    %eq3A_146 = arith.cmpi eq, %get3A_4, %eq3A_145 : vector<2048x1xi32>
    %convert_element_type3A_147 = arith.extui %eq3A_146 : vector<2048x1xi1> to vector<2048x1xi32>
    %convert_element_type3A_148 = arith.sitofp %convert_element_type3A_147 : vector<2048x1xi32> to vector<2048x1xf32>
    %mul3A_149 = vector.broadcast %convert_element_type3A_148 : vector<2048x1xf32> to vector<2048x32xf32>
    %mul3A_150 = arith.mulf %slice3A_143, %mul3A_149 : vector<2048x32xf32>
    %add3A_151 = arith.addf %add3A_142, %mul3A_150 : vector<2048x32xf32>
    %get3A_152 = arith.constant 0 : index
    %get3A_153 = arith.constant 0 : index
    %get3A_154 = vector.load %arg5[%get3A_152, %get3A_153] : memref<2048x128xf32, #tpu.memory_space<vmem>>, vector<2048x128xf32>
    %mul3A_155 = arith.mulf %add3A_113, %add3A_113 : vector<2048x32xf32>
    %reduce_sum3A = arith.constant dense<0.000000e+00> : vector<2048xf32>
    %reduce_sum3A_156 = vector.multi_reduction <add>, %mul3A_155, %reduce_sum3A [1] : vector<2048x32xf32> to vector<2048xf32>
    %broadcast_in_dim3A = vector.shape_cast %reduce_sum3A_156 : vector<2048xf32> to vector<2048x1xf32>
    %sqrt3A = math.sqrt %broadcast_in_dim3A : vector<2048x1xf32>
    %max3A = arith.constant 9.99999996E-13 : f32
    %max3A_157 = vector.broadcast %max3A : f32 to vector<2048x1xf32>
    %max3A_158 = arith.maximumf %sqrt3A, %max3A_157 : vector<2048x1xf32>
    %div3A = vector.broadcast %max3A_158 : vector<2048x1xf32> to vector<2048x32xf32>
    %div3A_159 = arith.divf %add3A_113, %div3A : vector<2048x32xf32>
    %mul3A_160 = arith.mulf %add3A_151, %add3A_151 : vector<2048x32xf32>
    %reduce_sum3A_161 = arith.constant dense<0.000000e+00> : vector<2048xf32>
    %reduce_sum3A_162 = vector.multi_reduction <add>, %mul3A_160, %reduce_sum3A_161 [1] : vector<2048x32xf32> to vector<2048xf32>
    %broadcast_in_dim3A_163 = vector.shape_cast %reduce_sum3A_162 : vector<2048xf32> to vector<2048x1xf32>
    %sqrt3A_164 = math.sqrt %broadcast_in_dim3A_163 : vector<2048x1xf32>
    %max3A_165 = arith.constant 9.99999996E-13 : f32
    %max3A_166 = vector.broadcast %max3A_165 : f32 to vector<2048x1xf32>
    %max3A_167 = arith.maximumf %sqrt3A_164, %max3A_166 : vector<2048x1xf32>
    %div3A_168 = vector.broadcast %max3A_167 : vector<2048x1xf32> to vector<2048x32xf32>
    %div3A_169 = arith.divf %add3A_151, %div3A_168 : vector<2048x32xf32>
    %add3A_170 = arith.addf %add3A_37, %div3A_169 : vector<2048x32xf32>
    %add3A_171 = arith.addf %add3A_75, %div3A_159 : vector<2048x32xf32>
    %slice3A_172 = vector.extract_strided_slice %get3A_154 {offsets = [0, 0], sizes = [2048, 32], strides = [1, 1]} : vector<2048x128xf32> to vector<2048x32xf32>
    %slice3A_173 = vector.extract_strided_slice %get3A_154 {offsets = [0, 32], sizes = [2048, 32], strides = [1, 1]} : vector<2048x128xf32> to vector<2048x32xf32>
    %slice3A_174 = vector.extract_strided_slice %get3A_154 {offsets = [0, 64], sizes = [2048, 32], strides = [1, 1]} : vector<2048x128xf32> to vector<2048x32xf32>
    %slice3A_175 = vector.extract_strided_slice %get3A_154 {offsets = [0, 96], sizes = [2048, 32], strides = [1, 1]} : vector<2048x128xf32> to vector<2048x32xf32>
    %abs3A = math.absf %slice3A_174 : vector<2048x32xf32>
    %mul3A_176 = arith.constant 5.000000e-01 : f32
    %mul3A_177 = vector.broadcast %mul3A_176 : f32 to vector<2048x32xf32>
    %mul3A_178 = arith.mulf %mul3A_177, %abs3A : vector<2048x32xf32>
    %sub3A = arith.subf %slice3A_172, %mul3A_178 : vector<2048x32xf32>
    %mul3A_179 = arith.constant 5.000000e-01 : f32
    %mul3A_180 = vector.broadcast %mul3A_179 : f32 to vector<2048x32xf32>
    %mul3A_181 = arith.mulf %mul3A_180, %abs3A : vector<2048x32xf32>
    %add3A_182 = arith.addf %slice3A_172, %mul3A_181 : vector<2048x32xf32>
    %add3A_183 = arith.addf %sub3A, %add3A_182 : vector<2048x32xf32>
    %mul3A_184 = arith.constant 5.000000e-01 : f32
    %mul3A_185 = vector.broadcast %mul3A_184 : f32 to vector<2048x32xf32>
    %mul3A_186 = arith.mulf %mul3A_185, %add3A_183 : vector<2048x32xf32>
    %sub3A_187 = arith.subf %add3A_182, %sub3A : vector<2048x32xf32>
    %add3A_188 = arith.constant 1.000000e+00 : f32
    %add3A_189 = vector.broadcast %add3A_188 : f32 to vector<2048x32xf32>
    %add3A_190 = arith.addf %sub3A_187, %add3A_189 : vector<2048x32xf32>
    %ge3A = arith.cmpf oge, %add3A_170, %sub3A : vector<2048x32xf32>
    %le3A = arith.cmpf ole, %add3A_170, %add3A_182 : vector<2048x32xf32>
    %and3A = arith.andi %ge3A, %le3A : vector<2048x32xi1>
    %sub3A_191 = arith.subf %add3A_170, %mul3A_186 : vector<2048x32xf32>
    %abs3A_192 = math.absf %sub3A_191 : vector<2048x32xf32>
    %div3A_193 = arith.divf %abs3A_192, %add3A_190 : vector<2048x32xf32>
    %sub3A_194 = arith.subf %add3A_170, %mul3A_186 : vector<2048x32xf32>
    %abs3A_195 = math.absf %sub3A_194 : vector<2048x32xf32>
    %mul3A_196 = arith.mulf %abs3A_195, %add3A_190 : vector<2048x32xf32>
    %mul3A_197 = arith.constant 5.000000e-01 : f32
    %mul3A_198 = vector.broadcast %mul3A_197 : f32 to vector<2048x32xf32>
    %mul3A_199 = arith.mulf %mul3A_198, %sub3A_187 : vector<2048x32xf32>
    %div3A_200 = arith.constant 1.000000e+00 : f32
    %div3A_201 = vector.broadcast %div3A_200 : f32 to vector<2048x32xf32>
    %div3A_202 = arith.divf %div3A_201, %add3A_190 : vector<2048x32xf32>
    %sub3A_203 = arith.subf %add3A_190, %div3A_202 : vector<2048x32xf32>
    %mul3A_204 = arith.mulf %mul3A_199, %sub3A_203 : vector<2048x32xf32>
    %sub3A_205 = arith.subf %mul3A_196, %mul3A_204 : vector<2048x32xf32>
    %select_n3A = arith.select %and3A, %div3A_193, %sub3A_205 : vector<2048x32xi1>, vector<2048x32xf32>
    %abs3A_206 = math.absf %slice3A_175 : vector<2048x32xf32>
    %mul3A_207 = arith.constant 5.000000e-01 : f32
    %mul3A_208 = vector.broadcast %mul3A_207 : f32 to vector<2048x32xf32>
    %mul3A_209 = arith.mulf %mul3A_208, %abs3A_206 : vector<2048x32xf32>
    %sub3A_210 = arith.subf %slice3A_173, %mul3A_209 : vector<2048x32xf32>
    %mul3A_211 = arith.constant 5.000000e-01 : f32
    %mul3A_212 = vector.broadcast %mul3A_211 : f32 to vector<2048x32xf32>
    %mul3A_213 = arith.mulf %mul3A_212, %abs3A_206 : vector<2048x32xf32>
    %add3A_214 = arith.addf %slice3A_173, %mul3A_213 : vector<2048x32xf32>
    %add3A_215 = arith.addf %sub3A_210, %add3A_214 : vector<2048x32xf32>
    %mul3A_216 = arith.constant 5.000000e-01 : f32
    %mul3A_217 = vector.broadcast %mul3A_216 : f32 to vector<2048x32xf32>
    %mul3A_218 = arith.mulf %mul3A_217, %add3A_215 : vector<2048x32xf32>
    %sub3A_219 = arith.subf %add3A_214, %sub3A_210 : vector<2048x32xf32>
    %add3A_220 = arith.constant 1.000000e+00 : f32
    %add3A_221 = vector.broadcast %add3A_220 : f32 to vector<2048x32xf32>
    %add3A_222 = arith.addf %sub3A_219, %add3A_221 : vector<2048x32xf32>
    %ge3A_223 = arith.cmpf oge, %add3A_171, %sub3A_210 : vector<2048x32xf32>
    %le3A_224 = arith.cmpf ole, %add3A_171, %add3A_214 : vector<2048x32xf32>
    %and3A_225 = arith.andi %ge3A_223, %le3A_224 : vector<2048x32xi1>
    %sub3A_226 = arith.subf %add3A_171, %mul3A_218 : vector<2048x32xf32>
    %abs3A_227 = math.absf %sub3A_226 : vector<2048x32xf32>
    %div3A_228 = arith.divf %abs3A_227, %add3A_222 : vector<2048x32xf32>
    %sub3A_229 = arith.subf %add3A_171, %mul3A_218 : vector<2048x32xf32>
    %abs3A_230 = math.absf %sub3A_229 : vector<2048x32xf32>
    %mul3A_231 = arith.mulf %abs3A_230, %add3A_222 : vector<2048x32xf32>
    %mul3A_232 = arith.constant 5.000000e-01 : f32
    %mul3A_233 = vector.broadcast %mul3A_232 : f32 to vector<2048x32xf32>
    %mul3A_234 = arith.mulf %mul3A_233, %sub3A_219 : vector<2048x32xf32>
    %div3A_235 = arith.constant 1.000000e+00 : f32
    %div3A_236 = vector.broadcast %div3A_235 : f32 to vector<2048x32xf32>
    %div3A_237 = arith.divf %div3A_236, %add3A_222 : vector<2048x32xf32>
    %sub3A_238 = arith.subf %add3A_222, %div3A_237 : vector<2048x32xf32>
    %mul3A_239 = arith.mulf %mul3A_234, %sub3A_238 : vector<2048x32xf32>
    %sub3A_240 = arith.subf %mul3A_231, %mul3A_239 : vector<2048x32xf32>
    %select_n3A_241 = arith.select %and3A_225, %div3A_228, %sub3A_240 : vector<2048x32xi1>, vector<2048x32xf32>
    %mul3A_242 = arith.mulf %select_n3A, %select_n3A : vector<2048x32xf32>
    %reduce_sum3A_243 = arith.constant dense<0.000000e+00> : vector<2048xf32>
    %reduce_sum3A_244 = vector.multi_reduction <add>, %mul3A_242, %reduce_sum3A_243 [1] : vector<2048x32xf32> to vector<2048xf32>
    %sqrt3A_245 = math.sqrt %reduce_sum3A_244 : vector<2048xf32>
    %mul3A_246 = arith.mulf %select_n3A_241, %select_n3A_241 : vector<2048x32xf32>
    %reduce_sum3A_247 = arith.constant dense<0.000000e+00> : vector<2048xf32>
    %reduce_sum3A_248 = vector.multi_reduction <add>, %mul3A_246, %reduce_sum3A_247 [1] : vector<2048x32xf32> to vector<2048xf32>
    %sqrt3A_249 = math.sqrt %reduce_sum3A_248 : vector<2048xf32>
    %add3A_250 = arith.addf %sqrt3A_245, %sqrt3A_249 : vector<2048xf32>
    %neg3A = arith.constant 0.000000e+00 : f32
    %neg3A_251 = vector.broadcast %neg3A : f32 to vector<2048xf32>
    %neg3A_252 = arith.subf %neg3A_251, %add3A_250 : vector<2048xf32>
    %swap3A = arith.constant 0 : index
    %swap3A_253 = vector.load %arg8[%swap3A] : memref<2048xf32, #tpu.memory_space<vmem>>, vector<2048xf32>
    tpu.vector_store %arg8[%swap3A], %neg3A_252 {strides = array<i32>} : memref<2048xf32, #tpu.memory_space<vmem>>, vector<2048xf32>,
    return
  }
  func.func @transform_0(%arg0: i32) -> (i32, i32) {
    %c0_i32 = arith.constant 0 : i32
    %c0_i32_0 = arith.constant 0 : i32
    return %arg0, %c0_i32 : i32, i32
  }
  func.func @transform_1(%arg0: i32) -> (i32, i32) {
    %c0_i32 = arith.constant 0 : i32
    %c0_i32_0 = arith.constant 0 : i32
    return %arg0, %c0_i32 : i32, i32
  }
  func.func @transform_2(%arg0: i32) -> (i32, i32) {
    %c0_i32 = arith.constant 0 : i32
    %c0_i32_0 = arith.constant 0 : i32
    return %arg0, %c0_i32 : i32, i32
  }
  func.func @transform_3(%arg0: i32) -> (i32, i32) {
    %c0_i32 = arith.constant 0 : i32
    %c0_i32_0 = arith.constant 0 : i32
    return %arg0, %c0_i32 : i32, i32
  }
  func.func @transform_4(%arg0: i32) -> (i32, i32) {
    %c0_i32 = arith.constant 0 : i32
    %c0_i32_0 = arith.constant 0 : i32
    return %arg0, %c0_i32 : i32, i32
  }
  func.func @transform_5(%arg0: i32) -> (i32, i32) {
    %c0_i32 = arith.constant 0 : i32
    %c0_i32_0 = arith.constant 0 : i32
    return %arg0, %c0_i32 : i32, i32
  }
  func.func @transform_6(%arg0: i32) -> (i32, i32) {
    %c0_i32 = arith.constant 0 : i32
    %c0_i32_0 = arith.constant 0 : i32
    return %arg0, %c0_i32 : i32, i32
  }
  func.func @transform_7(%arg0: i32) -> i32 {
    %c0_i32 = arith.constant 0 : i32
    return %arg0 : i32
  }
}

</mosaic_0001>

<sc_bundles>
// kernel: kernel.6.cloned.1.call-start
scs
__scs_entry_jumppad:
0x0: {  	(pc) =	sbr.rel $0x88, $3  }
0x1: {  	(tag) =	ssettag $0x0;
	lr =	simm.s32 $0x1  }
0x2: {  	[smem:$0x3F99] =	sst lr;
	_ =	strace $0xD0000000  }
0x3: {  	_ = 	snop  }
0x4: {  	_ = 	snop  }
0x5: {  	_ = 	snop  }
0x6: {  	_ = 	snop  }
0x7: {  	_ = 	snop  }
__scs_overlays_trampoline_lowered:
0x8: {  	[smem:$0x3FA8] =	sst s0  }
0x9: {  	[smem:$0x3FA9] =	sst s1  }
0xa: {  	[smem:$0x3FAA] =	sst s2  }
0xb: {  	[smem:$0x3FAB] =	sst s3  }
0xc: {  	[smem:$0x3FAC] =	sst s4  }
0xd: {  	[smem:$0x3FAD] =	sst s5  }
0xe: {  	[smem:$0x3FAE] =	sst s6  }
0xf: {  	[smem:$0x3FAF] =	sst s7  }
0x10: {  	[smem:$0x3FB0] =	sst s8  }
0x11: {  	[smem:$0x3FB1] =	sst s9;
	s0 =	simm.s32 @!p0 $0x0  }
0x12: {  	s1 =	sld [smem:$0x3F97];
	s0 =	simm.s32 @p0 $0x1  }
0x13: {  	[smem:$0x3FB2] =	sst s0;
	s0 =	simm.s32 @!p1 $0x0  }
0x14: {  	s2 =	sld [smem:$0x3F96];
	s0 =	simm.s32 @p1 $0x1  }
0x15: {  	[smem:$0x3FB3] =	sst s0;
	s0 =	simm.s32 @!p2 $0x0  }
0x16: {  	s3 =	sld [smem:$0x3FDB];
	s0 =	simm.s32 @p2 $0x1  }
0x17: {  	s4 =	simm.s32 $0x1BF5;
	[smem:$0x3FB5] =	sst s0  }
0x18: {  	s0 =	sld [smem:$0x3F98];
	_ =	swait.ge [sflag:s4], $0x0  }
0x19: {  	s7 =	sld [smem:$0x3F99]  }
0x1a: {  	s8 =	sadd.s32 $0xFFFFE003, lr  }
0x1b: {  	s9 =	sadd.s32 $0xFFFFFEF7, lr;
	s5 =	simm.s32 $0xFFFFFFFF;
	p2 =	slt.u32 s8, $0xFFFFF086  }
0x1c: {  	p1 =	slt.u32 s9, $0xF7A;
	s5 =	simm.s32 @!p2 $0x0  }
0x1d: {  	s5 =	simm.s32 @p1 $0x1;
	p0 =	seq.s32 s7, s2  }
0x1e: {  	s7 =	smul.u32 @!p0 $0xF7A, s2;
	p2 =	seq.s32 @!p0 s5, $0x0  }
0x1f: {  	s9 =	smul.u32 $0xF7A, s1;
	s8 =	simm.s32 @!p0 $0x1BF5;
	p2 =	por !p2, p0  }
0x20: {  	[sflag:s8] =	ssyncset.s32 @!p0 $0xFFFFF086;
	s6 =	sadd.s32 @!p0 s3, s7;
	s7 =	simm.s32 @!p0 $0x108  }
0x21: {  	s3 =	sadd.s32 s3, s9;
	s6 =	sadd.s32 @!p0 $0x88, s6;
	s7 =	simm.s32 @p2 $0x1082  }
0x22: {  	[simem:s7], [sflag:s8] =	dma.local @!p0 [hbm:s6], $0xF7A  }
0x23: {  	s9 =	sor.u32 $0xD0000000, s2;
	s6 =	simm.s32 $0x108;
	_ =	swait.ge @!p0 [sflag:s8], $0x0  }
0x24: {  	s3 =	sadd.s32 $0x88, s3;
	s6 =	simm.s32 @!p1 $0x1082;
	[sflag:s4] =	ssyncset.s32 $0xFFFFF086  }
0x25: {  	[simem:s6], [sflag:s4] =	dma.local [hbm:s3], $0xF7A  }
0x26: {  	[smem:$0x3F99] =	sst s1;
	(tag) =	ssettag s2;
	_ =	strace s9  }
0x27: {  	s1 =	sld [smem:$0x3FA9]  }
0x28: {  	s2 =	sld [smem:$0x3FAA]  }
0x29: {  	s4 =	sld [smem:$0x3FAC]  }
0x2a: {  	p0 =	seq.s32 s5, $0x0;
	s5 =	sld [smem:$0x3FAD]  }
0x2b: {  	s6 =	sld [smem:$0x3FAE]  }
0x2c: {  	s7 =	sld [smem:$0x3FAF]  }
0x2d: {  	s3 =	simm.s32 $0x108;
	s8 =	sld [smem:$0x3FB0]  }
0x2e: {  	s3 =	simm.s32 @!p0 $0x1082;
	s9 =	sld [smem:$0x3FB1]  }
0x2f: {  	lr =	sadd.s32 s0, s3;
	s0 =	sld [smem:$0x3FA8]  }
0x30: {  	s3 =	sld [smem:$0x3FAB]  }
0x31: {  	[smem:$0x3FB4] =	sst s10  }
0x32: {  	s10 =	sld [smem:$0x3FB2];
	_ =	sdelay $0x3  }
0x33: {  	p0 =	seq.s32 s10, $0x1;
	s10 =	sld [smem:$0x3FB4];
	_ =	sdelay $0x3  }
0x34: {  	[smem:$0x3FB4] =	sst s10  }
0x35: {  	s10 =	sld [smem:$0x3FB3];
	_ =	sdelay $0x3  }
0x36: {  	p1 =	seq.s32 s10, $0x1;
	s10 =	sld [smem:$0x3FB4];
	_ =	sdelay $0x3  }
0x37: {  	[smem:$0x3FB4] =	sst s10  }
0x38: {  	s10 =	sld [smem:$0x3FB5]  }
0x39: {  	_ = 	snop;
	(pc) =	sbr.ind lr, $3  }
0x3a: {  	_ = 	snop  }
0x3b: {  	_ = 	snop  }
0x3c: {  	p2 =	seq.s32 s10, $0x1;
	s10 =	sld [smem:$0x3FB4]  }
0x3d: {  	_ =	shalt  }
0x3e: {  	_ =	shalt  }
0x3f: {  	_ =	shalt  }
0x40: {  	_ =	shalt  }
0x41: {  	_ =	shalt  }
0x42: {  	_ =	shalt  }
0x43: {  	_ =	shalt  }
0x44: {  	_ =	shalt  }
0x45: {  	_ =	shalt  }
0x46: {  	_ =	shalt  }
0x47: {  	_ =	shalt  }
0x48: {  	_ =	shalt  }
0x49: {  	_ =	shalt  }
0x4a: {  	_ =	shalt  }
0x4b: {  	_ =	shalt  }
0x4c: {  	_ =	shalt  }
0x4d: {  	_ =	shalt  }
0x4e: {  	_ =	shalt  }
0x4f: {  	_ =	shalt  }
0x50: {  	_ =	shalt  }
0x51: {  	_ =	shalt  }
0x52: {  	_ =	shalt  }
0x53: {  	_ =	shalt  }
0x54: {  	_ =	shalt  }
0x55: {  	_ =	shalt  }
0x56: {  	_ =	shalt  }
0x57: {  	_ =	shalt  }
0x58: {  	_ =	shalt  }
0x59: {  	_ =	shalt  }
0x5a: {  	_ =	shalt  }
0x5b: {  	_ =	shalt  }
0x5c: {  	_ =	shalt  }
0x5d: {  	_ =	shalt  }
0x5e: {  	_ =	shalt  }
0x5f: {  	_ =	shalt  }
0x60: {  	_ =	shalt  }
0x61: {  	_ =	shalt  }
0x62: {  	_ =	shalt  }
0x63: {  	_ =	shalt  }
0x64: {  	_ =	shalt  }
0x65: {  	_ =	shalt  }
0x66: {  	_ =	shalt  }
0x67: {  	_ =	shalt  }
0x68: {  	_ =	shalt  }
0x69: {  	_ =	shalt  }
0x6a: {  	_ =	shalt  }
0x6b: {  	_ =	shalt  }
0x6c: {  	_ =	shalt  }
0x6d: {  	_ =	shalt  }
0x6e: {  	_ =	shalt  }
0x6f: {  	_ =	shalt  }
0x70: {  	_ =	shalt  }
0x71: {  	_ =	shalt  }
0x72: {  	_ =	shalt  }
0x73: {  	_ =	shalt  }
0x74: {  	_ =	shalt  }
0x75: {  	_ =	shalt  }
0x76: {  	_ =	shalt  }
0x77: {  	_ =	shalt  }
0x78: {  	_ =	shalt  }
0x79: {  	_ =	shalt  }
0x7a: {  	_ =	shalt  }
0x7b: {  	_ =	shalt  }
0x7c: {  	_ =	shalt  }
0x7d: {  	_ =	shalt  }
0x7e: {  	_ =	shalt  }
0x7f: {  	_ =	shalt  }
0x80: {  	_ =	shalt  }
0x81: {  	_ =	shalt  }
0x82: {  	_ =	shalt  }
0x83: {  	_ =	shalt  }
0x84: {  	_ =	shalt  }
0x85: {  	_ =	shalt  }
0x86: {  	_ =	shalt  }
0x87: {  	_ =	shalt  }
.Lfunc_end0:
.L_simem_size_0:
called_computation_lowered:
.L_overlay_start_0:
0x88: {  	s2 =	sld [smem:$0x3FD9]  }
0x89: {  	s3 =	sld [smem:$0x3FFE];
	_ =	sdelay $0x1  }
0x8a: {  	s1 =	srdreg.scid  }
0x8b: {  	s0 =	sand.u32 $0x1, s1  }
0x8c: {  	s17 =	sshll.u32 s0, $0xA;
	s2 =	sadd.s32 s3, s2  }
0x8d: {  	s2 =	sadd.s32 s2, s17  }
0x8e: {  	[smem:$0x3FC0] =	sst s2  }
0x8f: {  	_ = 	snop  }
0x90: {  	s2 =	sld [smem:$0x3FC2];
	(tm) =	ssettm $0x1  }
0x91: {  	s18 =	sld [smem:$0x3FFB];
	_ =	sdelay $0x3  }
0x92: {  	_ =	strace s18  }
0x93: {  	s3 =	sld [smem:$0x3FFC];
	_ =	sdelay $0x3  }
0x94: {  	_ =	strace s3  }
0x95: {  	s3 =	sld [smem:$0x3FFD];
	_ =	sdelay $0x3  }
0x96: {  	_ =	strace s3  }
0x97: {  	_ =	strace $0x8FFFFFFF  }
0x98: {  	s19 =	sld [smem:$0x3FDB];
	_ =	sdelay $0x1  }
0x99: {  	s4 =	simm.s32 $_scs_section_size  }
0x9a: {  	s5 =	simm.s32 $_size__tile_overlayer_lowered;
	s6 =	simm.s32 $_tile_overlayer_lowered  }
0x9b: {  	s22 =	simm.s32 $0x1BFF;
	s21 =	sshll.u32 s6, $0x1;
	s3 =	sadd.s32 s4, s19  }
0x9c: {  	s7 =	simm.s32 $0x0;
	s20 =	sshll.u32 s5, $0x1;
	s5 =	sadd.s32 s21, s3  }
0x9d: {  	[timem:s7], [sflag:s22] =	dma.local [hbm:s5], s20  }
0x9e: {  	_ =	swait.ge [sflag:s22], s20  }
0x9f: {  	s4 =	ssub.s32 $0x0, s20;
	[sflag:s22] =	ssyncset.done $0x0  }
0xa0: {  	[sflag:s22] =	ssyncadd.s32 s4;
	_ =	sdelay $0x1  }
0xa1: {  	s23 =	simm.s32 $0x1B8B  }
0xa2: {  	_ =	swait.ge [sflag:s23], $0x1  }
0xa3: {  	[sflag:s23] =	ssyncset.done $0x0  }
0xa4: {  	s25 =	simm.s32 $0x1B8E;
	s24 =	sld [smem:$0x3FFE];
	[sflag:s23] =	ssyncadd.s32 $0xFFFFFFFF  }
0xa5: {  	s26 =	simm.s32 $execute0_lowered;
	[smem:$0x3FD2] =	sst s25  }
0xa6: {  	s5 =	sshll.u32 s26, $0x1;
	_ =	strace $0x80000046;
	[dreg:$0x1] =	wrdreg $0xFFFFFFFF  }
0xa7: {  	s28 =	simm.s32 $_size_execute0_lowered;
	s3 =	sadd.s32 s3, s5;
	[dreg:$0x0] =	wrdreg $0x0  }
0xa8: {  	s5 =	sshll.u32 s28, $0x1;
	[dreg:$0x2] =	wrdreg s3  }
0xa9: {  	[dreg:$0x3] =	wrdreg s5  }
0xaa: {  	[dreg:$0x4] =	wrdreg $0xC0  }
0xab: {  	_ =	task [dreg:s7], $0x5FFFF  }
0xac: {  	[dreg:$0x1] =	wrdreg $0xFFFFFFFF  }
0xad: {  	[dreg:$0x0] =	wrdreg $0x60  }
0xae: {  	[dreg:$0x2] =	wrdreg s24  }
0xaf: {  	[dreg:$0x3] =	wrdreg s2  }
0xb0: {  	[dreg:$0x4] =	wrdreg $0x9  }
0xb1: {  	_ =	task.clear_ibuf [dreg:s7], $0x5FFFF;
	_ =	strace $0x90000046  }
0xb2: {  	s29 =	simm.s32 $0x9;
	_ =	strace $0x80000048  }
0xb3: {  	_ =	swait.ge [sflag:s29], $0x1  }
0xb4: {  	[sflag:s29] =	ssyncadd.s32 $0xFFFFFFFF  }
0xb5: {  	_ =	strace $0x90000048  }
0xb6: {  	_ =	sfence  }
0xb7: {  	s30 =	sld [smem:$0x0];
	_ =	sdelay $0x2  }
0xb8: {  	s31 =	sshll.u32 s1, $0xD;
	s1 =	sshrl.u32 s1, $0x2  }
0xb9: {  	s3 =	sand.u32 $0x4000, s31;
	s1 =	sadd.s32 s1, s30  }
0xba: {  	s0 =	sor.u32 s3, s0;
	s1 =	sshll.u32 s1, $0x11  }
0xbb: {  	s0 =	sor.u32 s1, s0  }
0xbc: {  	s0 =	sadd.s32 $0x8F2B, s0  }
0xbd: {  	[sflag:s0] =	ssyncadd.remote.s32 $0x1  }
0xbe: {  	_ =	sfence.sel $0xFFFF  }
0xbf: {  	[dreg:$0x0] =	wrdreg $0xFFFFFFFF;
	(pc) =	sbr.abs _section_cstart, $3  }
0xc0: {  	[dreg:$0x1] =	wrdreg $0xFFFFFFFF  }
0xc1: {  	_ =	task.clear_ibuf [dreg:s7], $0x2FFFF;
	_ =	strace $0x9FFFFFFF  }
0xc2: {  	(tm) =	ssettm $0x7FFFFFFF  }
0xc3: {  	_ =	shalt  }
tec
execute0_lowered:
.L_overlay_start_1:
0x0: {  	(tag) =	ssettag $0x1  }
0x1: {  	s1 =	srdreg.scid  }
0x2: {  	s0 =	stileid.u32;
	s1 =	sand.u32 $0x1, s1  }
0x3: {  	s25 =	rddreg [dreg:$0x0];
	s2 =	sshll.u32 s0, $0xA;
	s3 =	sshll.u32 s1, $0x9  }
0x4: {  	s4 =	rddreg [dreg:$0x1];
	s8 =	sadd.s32 $0x7B7000, s25;
	s3 =	sor.u32 s3, s2  }
0x5: {  	s12 =	sadd.s32 $0x837000, s25;
	s2 =	simm.s32 $0x0;
	s5 =	sshrl.u32 s3, $0x3  }
0x6: {  	[smem:$0x7FF] =	sst s2;
	s26 =	sshll.u32 s3, $0x4;
	s4 =	sadd.s32 s4, s5  }
0x7: {  	_ =	strace $0x80000047;
	s3 =	sadd.s32 s8, s26;
	[dreg:$0x5] =	wrdreg s4  }
0x8: {  	s23 =	sadd.s32 $0x877000, s25;
	s14 =	sadd.s32 s12, s26;
	[dreg:$0x6] =	wrdreg s3  }
0x9: {  	s6 =	sadd.s32 s5, s25;
	s19 =	sadd.s32 s23, s26;
	[dreg:$0xe] =	wrdreg s14  }
0xa: {  	s7 =	sadd.s32 $0x2800, s6;
	[dreg:$0x12] =	wrdreg s19  }
0xb: {  	s28 =	sor.u32 $0x800, s26;
	s6 =	sadd.s32 $0x2000, s6;
	[dreg:$0x3] =	wrdreg s7  }
0xc: {  	s5 =	sadd.s32 s8, s28;
	[dreg:$0x4] =	wrdreg s6  }
0xd: {  	s30 =	sor.u32 $0x1000, s26;
	s15 =	sadd.s32 s12, s28;
	[dreg:$0x7] =	wrdreg s5  }
0xe: {  	s31 =	sor.u32 $0x1800, s26;
	s16 =	sadd.s32 s12, s30;
	[dreg:$0xf] =	wrdreg s15  }
0xf: {  	s17 =	sadd.s32 s12, s31;
	[dreg:$0x10] =	wrdreg s16  }
0x10: {  	s6 =	sadd.s32 s8, s30;
	[dreg:$0x11] =	wrdreg s17  }
0x11: {  	s8 =	sadd.s32 s8, s31;
	[dreg:$0x8] =	wrdreg s6  }
0x12: {  	s7 =	sadd.s32 $0x7F7000, s25;
	[dreg:$0x9] =	wrdreg s8  }
0x13: {  	s9 =	sadd.s32 s7, s26;
	s18 =	rddreg [dreg:$0x3]  }
0x14: {  	s10 =	sadd.s32 s7, s28;
	[dreg:$0xa] =	wrdreg s9  }
0x15: {  	s11 =	sadd.s32 s7, s30;
	[dreg:$0xb] =	wrdreg s10  }
0x16: {  	s13 =	sadd.s32 s7, s31;
	[dreg:$0xc] =	wrdreg s11  }
0x17: {  	s3 =	simm.s32 $0x5;
	[dreg:$0xd] =	wrdreg s13  }
0x18: {  	[tilespmem:s2], [sflag:$0x5] =	stream.linear.gather [hbm4b:s18+s2], $0x200, $0x38;
	[tilespmem:$0x8600] =	vst v63  }
0x19: {  	_ =	swait.ge [sflag:s3], $0x200  }
0x1a: {  	[sflag:s3] =	ssyncset.done $0x0  }
0x1b: {  	s4 =	simm.s32 $0x200;
	s20 =	rddreg [dreg:$0x4];
	[sflag:s3] =	ssyncadd.s32 $0xFFFFFE00  }
0x1c: {  	[tilespmem:s4], [sflag:$0x5] =	stream.linear.gather [hbm4b:s20+s2], $0x200, $0x38;
	[tilespmem:$0x8600] =	vst v63  }
0x1d: {  	_ =	swait.ge [sflag:s3], $0x200  }
0x1e: {  	[sflag:s3] =	ssyncset.done $0x0  }
0x1f: {  	s5 =	simm.s32 $0x400;
	s21 =	rddreg [dreg:$0x5];
	[sflag:s3] =	ssyncadd.s32 $0xFFFFFE00  }
0x20: {  	[tilespmem:s5], [sflag:$0x5] =	stream.linear.gather [hbm4b:s21+s2], $0x200, $0x38;
	[tilespmem:$0x8600] =	vst v63  }
0x21: {  	_ =	swait.ge [sflag:s3], $0x200  }
0x22: {  	s6 =	sadd.s32 $0x3000, s25;
	[sflag:s3] =	ssyncset.done $0x0  }
0x23: {  	s7 =	simm.s32 $0x80;
	s8 =	simm.s32 $0x600;
	[sflag:s3] =	ssyncadd.s32 $0xFFFFFE00  }
0x24: {  	[tilespmem:s8], [sflag:$0x1] =	stream.indirect.gather [hbm4b:s6+s7], $0x80, s2, s7, $0xb8;
	[tilespmem:$0x8600] =	vst v63  }
0x25: {  	s9 =	simm.s32 $0x4600;
	s10 =	simm.s32 $0x1  }
0x26: {  	[tilespmem:s9], [sflag:$0x2] =	stream.indirect.gather [hbm4b:s6+s7], $0x80, s7, s7, $0xb8;
	[tilespmem:$0x8600] =	vst v63  }
0x27: {  	_ =	swait.ge [sflag:s10], $0x4000  }
0x28: {  	[sflag:s10] =	ssyncset.done $0x0  }
0x29: {  	s11 =	simm.s32 $0x3;
	s12 =	rddreg [dreg:$0x6];
	[sflag:s10] =	ssyncadd.s32 $0xFFFFC000  }
0x2a: {  	[hbm4b:s12+s2] =	stream.linear.scatter [tilespmem:s8], [sflag:$0x3], $0x4000, $0x38;
	[tilespmem:$0x8600] =	vst v63  }
0x2b: {  	_ =	swait.ge [sflag:s11], $0x4000  }
0x2c: {  	[sflag:s11] =	ssyncset.done $0x0  }
0x2d: {  	s13 =	simm.s32 $0x2;
	s12 =	simm.s32 $0x100;
	[sflag:s11] =	ssyncadd.s32 $0xFFFFC000  }
0x2e: {  	[tilespmem:s8], [sflag:$0x1] =	stream.indirect.gather [hbm4b:s6+s7], $0x80, s12, s7, $0xb8;
	[tilespmem:$0x8600] =	vst v63  }
0x2f: {  	_ =	swait.ge [sflag:s13], $0x4000  }
0x30: {  	[sflag:s13] =	ssyncset.done $0x0  }
0x31: {  	s14 =	simm.s32 $0x4;
	s15 =	rddreg [dreg:$0x7];
	[sflag:s13] =	ssyncadd.s32 $0xFFFFC000  }
0x32: {  	[hbm4b:s15+s2] =	stream.linear.scatter [tilespmem:s9], [sflag:$0x4], $0x4000, $0x38;
	[tilespmem:$0x8600] =	vst v63  }
0x33: {  	_ =	swait.ge [sflag:s14], $0x4000  }
0x34: {  	[sflag:s14] =	ssyncset.done $0x0  }
0x35: {  	s15 =	simm.s32 $0x180;
	[sflag:s14] =	ssyncadd.s32 $0xFFFFC000  }
0x36: {  	[tilespmem:s9], [sflag:$0x2] =	stream.indirect.gather [hbm4b:s6+s7], $0x80, s15, s7, $0xb8;
	[tilespmem:$0x8600] =	vst v63  }
0x37: {  	_ =	swait.ge [sflag:s10], $0x4000  }
0x38: {  	[sflag:s10] =	ssyncset.done $0x0  }
0x39: {  	s16 =	rddreg [dreg:$0x8];
	[sflag:s10] =	ssyncadd.s32 $0xFFFFC000  }
0x3a: {  	[hbm4b:s16+s2] =	stream.linear.scatter [tilespmem:s8], [sflag:$0x3], $0x4000, $0x38;
	[tilespmem:$0x8600] =	vst v63  }
0x3b: {  	_ =	swait.ge [sflag:s11], $0x4000  }
0x3c: {  	[sflag:s11] =	ssyncset.done $0x0  }
0x3d: {  	[sflag:s11] =	ssyncadd.s32 $0xFFFFC000  }
0x3e: {  	[tilespmem:s8], [sflag:$0x1] =	stream.indirect.gather [hbm4b:s6+s7], $0x80, s4, s7, $0xb8;
	[tilespmem:$0x8600] =	vst v63  }
0x3f: {  	_ =	swait.ge [sflag:s13], $0x4000  }
0x40: {  	[sflag:s13] =	ssyncset.done $0x0  }
0x41: {  	s22 =	rddreg [dreg:$0x9];
	[sflag:s13] =	ssyncadd.s32 $0xFFFFC000  }
0x42: {  	[hbm4b:s22+s2] =	stream.linear.scatter [tilespmem:s9], [sflag:$0x4], $0x4000, $0x38;
	[tilespmem:$0x8600] =	vst v63  }
0x43: {  	_ =	swait.ge [sflag:s14], $0x4000  }
0x44: {  	[sflag:s14] =	ssyncset.done $0x0  }
0x45: {  	s16 =	simm.s32 $0x280;
	[sflag:s14] =	ssyncadd.s32 $0xFFFFC000  }
0x46: {  	[tilespmem:s9], [sflag:$0x2] =	stream.indirect.gather [hbm4b:s6+s7], $0x80, s16, s7, $0xb8;
	[tilespmem:$0x8600] =	vst v63  }
0x47: {  	_ =	swait.ge [sflag:s10], $0x4000  }
0x48: {  	[sflag:s10] =	ssyncset.done $0x0  }
0x49: {  	s17 =	rddreg [dreg:$0xa];
	[sflag:s10] =	ssyncadd.s32 $0xFFFFC000  }
0x4a: {  	[hbm4b:s17+s2] =	stream.linear.scatter [tilespmem:s8], [sflag:$0x3], $0x4000, $0x38;
	[tilespmem:$0x8600] =	vst v63  }
0x4b: {  	_ =	swait.ge [sflag:s11], $0x4000  }
0x4c: {  	[sflag:s11] =	ssyncset.done $0x0  }
0x4d: {  	s17 =	simm.s32 $0x300;
	[sflag:s11] =	ssyncadd.s32 $0xFFFFC000  }
0x4e: {  	[tilespmem:s8], [sflag:$0x1] =	stream.indirect.gather [hbm4b:s6+s7], $0x80, s17, s7, $0xb8;
	[tilespmem:$0x8600] =	vst v63  }
0x4f: {  	_ =	swait.ge [sflag:s13], $0x4000  }
0x50: {  	[sflag:s13] =	ssyncset.done $0x0  }
0x51: {  	s18 =	rddreg [dreg:$0xb];
	[sflag:s13] =	ssyncadd.s32 $0xFFFFC000  }
0x52: {  	[hbm4b:s18+s2] =	stream.linear.scatter [tilespmem:s9], [sflag:$0x4], $0x4000, $0x38;
	[tilespmem:$0x8600] =	vst v63  }
0x53: {  	_ =	swait.ge [sflag:s14], $0x4000  }
0x54: {  	[sflag:s14] =	ssyncset.done $0x0  }
0x55: {  	s18 =	simm.s32 $0x380;
	[sflag:s14] =	ssyncadd.s32 $0xFFFFC000  }
0x56: {  	[tilespmem:s9], [sflag:$0x2] =	stream.indirect.gather [hbm4b:s6+s7], $0x80, s18, s7, $0xb8;
	[tilespmem:$0x8600] =	vst v63  }
0x57: {  	_ =	swait.ge [sflag:s10], $0x4000  }
0x58: {  	[sflag:s10] =	ssyncset.done $0x0  }
0x59: {  	s19 =	rddreg [dreg:$0xc];
	[sflag:s10] =	ssyncadd.s32 $0xFFFFC000  }
0x5a: {  	[hbm4b:s19+s2] =	stream.linear.scatter [tilespmem:s8], [sflag:$0x3], $0x4000, $0x38;
	[tilespmem:$0x8600] =	vst v63  }
0x5b: {  	_ =	swait.ge [sflag:s11], $0x4000  }
0x5c: {  	[sflag:s11] =	ssyncset.done $0x0  }
0x5d: {  	s19 =	sadd.s32 $0x3DB000, s25;
	[sflag:s11] =	ssyncadd.s32 $0xFFFFC000  }
0x5e: {  	[tilespmem:s8], [sflag:$0x1] =	stream.indirect.gather [hbm4b:s19+s7], $0x80, s2, s7, $0xb8;
	[tilespmem:$0x8600] =	vst v63  }
0x5f: {  	_ =	swait.ge [sflag:s13], $0x4000  }
0x60: {  	[sflag:s13] =	ssyncset.done $0x0  }
0x61: {  	s20 =	rddreg [dreg:$0xd];
	[sflag:s13] =	ssyncadd.s32 $0xFFFFC000  }
0x62: {  	[hbm4b:s20+s2] =	stream.linear.scatter [tilespmem:s9], [sflag:$0x4], $0x4000, $0x38;
	[tilespmem:$0x8600] =	vst v63  }
0x63: {  	_ =	swait.ge [sflag:s14], $0x4000  }
0x64: {  	[sflag:s14] =	ssyncset.done $0x0  }
0x65: {  	[sflag:s14] =	ssyncadd.s32 $0xFFFFC000  }
0x66: {  	[tilespmem:s9], [sflag:$0x2] =	stream.indirect.gather [hbm4b:s19+s7], $0x80, s7, s7, $0xb8;
	[tilespmem:$0x8600] =	vst v63  }
0x67: {  	_ =	swait.ge [sflag:s10], $0x4000  }
0x68: {  	[sflag:s10] =	ssyncset.done $0x0  }
0x69: {  	s24 =	rddreg [dreg:$0xe];
	[sflag:s10] =	ssyncadd.s32 $0xFFFFC000  }
0x6a: {  	[hbm4b:s24+s2] =	stream.linear.scatter [tilespmem:s8], [sflag:$0x3], $0x4000, $0x38;
	[tilespmem:$0x8600] =	vst v63  }
0x6b: {  	_ =	swait.ge [sflag:s11], $0x4000  }
0x6c: {  	[sflag:s11] =	ssyncset.done $0x0  }
0x6d: {  	[sflag:s11] =	ssyncadd.s32 $0xFFFFC000  }
0x6e: {  	[tilespmem:s8], [sflag:$0x1] =	stream.indirect.gather [hbm4b:s19+s7], $0x80, s12, s7, $0xb8;
	[tilespmem:$0x8600] =	vst v63  }
0x6f: {  	_ =	swait.ge [sflag:s13], $0x4000  }
0x70: {  	[sflag:s13] =	ssyncset.done $0x0  }
0x71: {  	s0 =	rddreg [dreg:$0xf];
	[sflag:s13] =	ssyncadd.s32 $0xFFFFC000  }
0x72: {  	[hbm4b:s0+s2] =	stream.linear.scatter [tilespmem:s9], [sflag:$0x4], $0x4000, $0x38;
	[tilespmem:$0x8600] =	vst v63  }
0x73: {  	_ =	swait.ge [sflag:s14], $0x4000  }
0x74: {  	[sflag:s14] =	ssyncset.done $0x0  }
0x75: {  	[sflag:s14] =	ssyncadd.s32 $0xFFFFC000  }
0x76: {  	[tilespmem:s9], [sflag:$0x2] =	stream.indirect.gather [hbm4b:s19+s7], $0x80, s15, s7, $0xb8;
	[tilespmem:$0x8600] =	vst v63  }
0x77: {  	_ =	swait.ge [sflag:s10], $0x4000  }
0x78: {  	[sflag:s10] =	ssyncset.done $0x0  }
0x79: {  	s21 =	rddreg [dreg:$0x10];
	[sflag:s10] =	ssyncadd.s32 $0xFFFFC000  }
0x7a: {  	[hbm4b:s21+s2] =	stream.linear.scatter [tilespmem:s8], [sflag:$0x3], $0x4000, $0x38;
	[tilespmem:$0x8600] =	vst v63  }
0x7b: {  	_ =	swait.ge [sflag:s11], $0x4000  }
0x7c: {  	[sflag:s11] =	ssyncset.done $0x0  }
0x7d: {  	[sflag:s11] =	ssyncadd.s32 $0xFFFFC000  }
0x7e: {  	[tilespmem:s8], [sflag:$0x1] =	stream.indirect.gather [hbm4b:s19+s7], $0x80, s4, s7, $0xb8;
	[tilespmem:$0x8600] =	vst v63  }
0x7f: {  	_ =	swait.ge [sflag:s13], $0x4000  }
0x80: {  	[sflag:s13] =	ssyncset.done $0x0  }
0x81: {  	s22 =	rddreg [dreg:$0x11];
	[sflag:s13] =	ssyncadd.s32 $0xFFFFC000  }
0x82: {  	[hbm4b:s22+s2] =	stream.linear.scatter [tilespmem:s9], [sflag:$0x4], $0x4000, $0x38;
	[tilespmem:$0x8600] =	vst v63  }
0x83: {  	_ =	swait.ge [sflag:s14], $0x4000  }
0x84: {  	[sflag:s14] =	ssyncset.done $0x0  }
0x85: {  	[sflag:s14] =	ssyncadd.s32 $0xFFFFC000  }
0x86: {  	[tilespmem:s9], [sflag:$0x2] =	stream.indirect.gather [hbm4b:s19+s7], $0x80, s16, s7, $0xb8;
	[tilespmem:$0x8600] =	vst v63  }
0x87: {  	_ =	swait.ge [sflag:s10], $0x4000  }
0x88: {  	[sflag:s10] =	ssyncset.done $0x0  }
0x89: {  	s24 =	rddreg [dreg:$0x12];
	[sflag:s10] =	ssyncadd.s32 $0xFFFFC000  }
0x8a: {  	[hbm4b:s24+s2] =	stream.linear.scatter [tilespmem:s8], [sflag:$0x3], $0x4000, $0x38;
	[tilespmem:$0x8600] =	vst v63  }
0x8b: {  	_ =	swait.ge [sflag:s11], $0x4000  }
0x8c: {  	[sflag:s11] =	ssyncset.done $0x0  }
0x8d: {  	[sflag:s11] =	ssyncadd.s32 $0xFFFFC000  }
0x8e: {  	[tilespmem:s8], [sflag:$0x1] =	stream.indirect.gather [hbm4b:s19+s7], $0x80, s17, s7, $0xb8;
	[tilespmem:$0x8600] =	vst v63  }
0x8f: {  	_ =	swait.ge [sflag:s13], $0x4000  }
0x90: {  	[sflag:s13] =	ssyncset.done $0x0  }
0x91: {  	s20 =	sadd.s32 s23, s28;
	[sflag:s13] =	ssyncadd.s32 $0xFFFFC000  }
0x92: {  	[hbm4b:s20+s2] =	stream.linear.scatter [tilespmem:s9], [sflag:$0x4], $0x4000, $0x38;
	[tilespmem:$0x8600] =	vst v63  }
0x93: {  	_ =	swait.ge [sflag:s14], $0x4000  }
0x94: {  	[sflag:s14] =	ssyncset.done $0x0  }
0x95: {  	[sflag:s14] =	ssyncadd.s32 $0xFFFFC000  }
0x96: {  	[tilespmem:s9], [sflag:$0x2] =	stream.indirect.gather [hbm4b:s19+s7], $0x80, s18, s7, $0xb8;
	[tilespmem:$0x8600] =	vst v63  }
0x97: {  	_ =	swait.ge [sflag:s10], $0x4000  }
0x98: {  	[sflag:s10] =	ssyncset.done $0x0  }
0x99: {  	s21 =	sadd.s32 s23, s30;
	[sflag:s10] =	ssyncadd.s32 $0xFFFFC000  }
0x9a: {  	[hbm4b:s21+s2] =	stream.linear.scatter [tilespmem:s8], [sflag:$0x3], $0x4000, $0x38;
	[tilespmem:$0x8600] =	vst v63  }
0x9b: {  	_ =	swait.ge [sflag:s11], $0x4000  }
0x9c: {  	[sflag:s11] =	ssyncset.done $0x0  }
0x9d: {  	s22 =	sadd.s32 $0x7B3000, s25;
	[sflag:s11] =	ssyncadd.s32 $0xFFFFC000  }
0x9e: {  	[tilespmem:s8], [sflag:$0x1] =	stream.indirect.gather [hbm4b:s22+s7], $0x80, s5, s7, $0xb8;
	[tilespmem:$0x8600] =	vst v63  }
0x9f: {  	_ =	swait.ge [sflag:s13], $0x4000  }
0xa0: {  	[sflag:s13] =	ssyncset.done $0x0  }
0xa1: {  	s23 =	sadd.s32 s23, s31;
	[sflag:s13] =	ssyncadd.s32 $0xFFFFC000  }
0xa2: {  	[hbm4b:s23+s2] =	stream.linear.scatter [tilespmem:s9], [sflag:$0x4], $0x4000, $0x38;
	[tilespmem:$0x8600] =	vst v63  }
0xa3: {  	_ =	swait.ge [sflag:s14], $0x4000  }
0xa4: {  	[sflag:s14] =	ssyncset.done $0x0  }
0xa5: {  	s24 =	simm.s32 $0x480;
	[sflag:s14] =	ssyncadd.s32 $0xFFFFC000  }
0xa6: {  	[tilespmem:s9], [sflag:$0x2] =	stream.indirect.gather [hbm4b:s22+s7], $0x80, s24, s7, $0xb8;
	[tilespmem:$0x8600] =	vst v63  }
0xa7: {  	_ =	swait.ge [sflag:s10], $0x4000  }
0xa8: {  	s0 =	sadd.s32 $0x8B7000, s25;
	[sflag:s10] =	ssyncset.done $0x0  }
0xa9: {  	s25 =	sadd.s32 s0, s26;
	[sflag:s10] =	ssyncadd.s32 $0xFFFFC000  }
0xaa: {  	[hbm4b:s25+s2] =	stream.linear.scatter [tilespmem:s8], [sflag:$0x3], $0x4000, $0x38;
	[tilespmem:$0x8600] =	vst v63  }
0xab: {  	_ =	swait.ge [sflag:s11], $0x4000  }
0xac: {  	[sflag:s11] =	ssyncset.done $0x0  }
0xad: {  	s26 =	simm.s32 $0x500;
	[sflag:s11] =	ssyncadd.s32 $0xFFFFC000  }
0xae: {  	[tilespmem:s8], [sflag:$0x1] =	stream.indirect.gather [hbm4b:s22+s7], $0x80, s26, s7, $0xb8;
	[tilespmem:$0x8600] =	vst v63  }
0xaf: {  	_ =	swait.ge [sflag:s13], $0x4000  }
0xb0: {  	[sflag:s13] =	ssyncset.done $0x0  }
0xb1: {  	s28 =	sadd.s32 s0, s28;
	[sflag:s13] =	ssyncadd.s32 $0xFFFFC000  }
0xb2: {  	[hbm4b:s28+s2] =	stream.linear.scatter [tilespmem:s9], [sflag:$0x4], $0x4000, $0x38;
	[tilespmem:$0x8600] =	vst v63  }
0xb3: {  	_ =	swait.ge [sflag:s14], $0x4000  }
0xb4: {  	[sflag:s14] =	ssyncset.done $0x0  }
0xb5: {  	s29 =	simm.s32 $0x580;
	[sflag:s14] =	ssyncadd.s32 $0xFFFFC000  }
0xb6: {  	[tilespmem:s9], [sflag:$0x2] =	stream.indirect.gather [hbm4b:s22+s7], $0x80, s29, s7, $0xb8;
	[tilespmem:$0x8600] =	vst v63  }
0xb7: {  	s30 =	sadd.s32 s0, s30;
	_ =	swait.ge [sflag:s10], $0x4000  }
0xb8: {  	s31 =	sadd.s32 s0, s31;
	s0 =	ssub.s32 $0x2, s1;
	[sflag:s10] =	ssyncset.done $0x0  }
0xb9: {  	s1 =	sshrl.u32 s0, $0x1;
	[sflag:s10] =	ssyncadd.s32 $0xFFFFC000  }
0xba: {  	[hbm4b:s30+s2] =	stream.linear.scatter [tilespmem:s8], [sflag:$0x3], $0x4000, $0x38;
	[tilespmem:$0x8600] =	vst v63  }
0xbb: {  	s0 =	ssub.s32 s0, s1;
	_ =	swait.ge [sflag:s13], $0x4000  }
0xbc: {  	s0 =	smax.u32 s0, $0x1;
	[sflag:s13] =	ssyncset.done $0x0  }
0xbd: {  	p0 =	sne.s32 s0, $0x1;
	[sflag:s13] =	ssyncadd.s32 $0xFFFFC000  }
0xbe: {  	[hbm4b:s31+s2] =	stream.linear.scatter [tilespmem:s9], [sflag:$0x4], $0x4000, $0x38;
	[tilespmem:$0x8600] =	vst v63  }
.Ltmp0:
0xbf: {  	_ =	swait.ge [sflag:s11], $0x4000;
	(pc) =	sbr.rel @!p0 .LBB2_2-.Ltmp0, $4  }
0xc0: {  	[sflag:s11] =	ssyncset.done $0x0  }
0xc1: {  	[sflag:s11] =	ssyncadd.s32 $0xFFFFC000  }
0xc2: {  	_ =	swait.ge [sflag:s14], $0x4000  }
0xc3: {  	s1 =	sadd.s32 $0xFFFFFFFF, s0;
	[sflag:s14] =	ssyncset.done $0x0  }
.LBB2_1:
0xc4: {  	s0 =	rddreg [dreg:$0x3];
	[sflag:s14] =	ssyncadd.s32 $0xFFFFC000  }
0xc5: {  	[tilespmem:s2], [sflag:$0x5] =	stream.linear.gather [hbm4b:s0+s2], $0x200, $0x38;
	[tilespmem:$0x8600] =	vst v63  }
0xc6: {  	_ =	swait.ge [sflag:s3], $0x200  }
0xc7: {  	[sflag:s3] =	ssyncset.done $0x0  }
0xc8: {  	s0 =	rddreg [dreg:$0x4];
	[sflag:s3] =	ssyncadd.s32 $0xFFFFFE00  }
0xc9: {  	[tilespmem:s4], [sflag:$0x5] =	stream.linear.gather [hbm4b:s0+s2], $0x200, $0x38;
	[tilespmem:$0x8600] =	vst v63  }
0xca: {  	_ =	swait.ge [sflag:s3], $0x200  }
0xcb: {  	[sflag:s3] =	ssyncset.done $0x0  }
0xcc: {  	s0 =	rddreg [dreg:$0x5];
	[sflag:s3] =	ssyncadd.s32 $0xFFFFFE00  }
0xcd: {  	[tilespmem:s5], [sflag:$0x5] =	stream.linear.gather [hbm4b:s0+s2], $0x200, $0x38;
	[tilespmem:$0x8600] =	vst v63  }
0xce: {  	_ =	swait.ge [sflag:s3], $0x200  }
0xcf: {  	[sflag:s3] =	ssyncset.done $0x0  }
0xd0: {  	[sflag:s3] =	ssyncadd.s32 $0xFFFFFE00  }
0xd1: {  	[tilespmem:s8], [sflag:$0x1] =	stream.indirect.gather [hbm4b:s6+s7], $0x80, s2, s7, $0xb8;
	[tilespmem:$0x8600] =	vst v63  }
0xd2: {  	_ = 	snop  }
0xd3: {  	[tilespmem:s9], [sflag:$0x2] =	stream.indirect.gather [hbm4b:s6+s7], $0x80, s7, s7, $0xb8;
	[tilespmem:$0x8600] =	vst v63  }
0xd4: {  	_ =	swait.ge [sflag:s10], $0x4000  }
0xd5: {  	[sflag:s10] =	ssyncset.done $0x0  }
0xd6: {  	s0 =	rddreg [dreg:$0x6];
	[sflag:s10] =	ssyncadd.s32 $0xFFFFC000  }
0xd7: {  	[hbm4b:s0+s2] =	stream.linear.scatter [tilespmem:s8], [sflag:$0x3], $0x4000, $0x38;
	[tilespmem:$0x8600] =	vst v63  }
0xd8: {  	_ =	swait.ge [sflag:s11], $0x4000  }
0xd9: {  	[sflag:s11] =	ssyncset.done $0x0  }
0xda: {  	[sflag:s11] =	ssyncadd.s32 $0xFFFFC000  }
0xdb: {  	[tilespmem:s8], [sflag:$0x1] =	stream.indirect.gather [hbm4b:s6+s7], $0x80, s12, s7, $0xb8;
	[tilespmem:$0x8600] =	vst v63  }
0xdc: {  	_ =	swait.ge [sflag:s13], $0x4000  }
0xdd: {  	[sflag:s13] =	ssyncset.done $0x0  }
0xde: {  	s0 =	rddreg [dreg:$0x7];
	[sflag:s13] =	ssyncadd.s32 $0xFFFFC000  }
0xdf: {  	[hbm4b:s0+s2] =	stream.linear.scatter [tilespmem:s9], [sflag:$0x4], $0x4000, $0x38;
	[tilespmem:$0x8600] =	vst v63  }
0xe0: {  	_ =	swait.ge [sflag:s14], $0x4000  }
0xe1: {  	[sflag:s14] =	ssyncset.done $0x0  }
0xe2: {  	[sflag:s14] =	ssyncadd.s32 $0xFFFFC000  }
0xe3: {  	[tilespmem:s9], [sflag:$0x2] =	stream.indirect.gather [hbm4b:s6+s7], $0x80, s15, s7, $0xb8;
	[tilespmem:$0x8600] =	vst v63  }
0xe4: {  	_ =	swait.ge [sflag:s10], $0x4000  }
0xe5: {  	[sflag:s10] =	ssyncset.done $0x0  }
0xe6: {  	s0 =	rddreg [dreg:$0x8];
	[sflag:s10] =	ssyncadd.s32 $0xFFFFC000  }
0xe7: {  	[hbm4b:s0+s2] =	stream.linear.scatter [tilespmem:s8], [sflag:$0x3], $0x4000, $0x38;
	[tilespmem:$0x8600] =	vst v63  }
0xe8: {  	_ =	swait.ge [sflag:s11], $0x4000  }
0xe9: {  	[sflag:s11] =	ssyncset.done $0x0  }
0xea: {  	[sflag:s11] =	ssyncadd.s32 $0xFFFFC000  }
0xeb: {  	[tilespmem:s8], [sflag:$0x1] =	stream.indirect.gather [hbm4b:s6+s7], $0x80, s4, s7, $0xb8;
	[tilespmem:$0x8600] =	vst v63  }
0xec: {  	_ =	swait.ge [sflag:s13], $0x4000  }
0xed: {  	[sflag:s13] =	ssyncset.done $0x0  }
0xee: {  	s0 =	rddreg [dreg:$0x9];
	[sflag:s13] =	ssyncadd.s32 $0xFFFFC000  }
0xef: {  	[hbm4b:s0+s2] =	stream.linear.scatter [tilespmem:s9], [sflag:$0x4], $0x4000, $0x38;
	[tilespmem:$0x8600] =	vst v63  }
0xf0: {  	_ =	swait.ge [sflag:s14], $0x4000  }
0xf1: {  	[sflag:s14] =	ssyncset.done $0x0  }
0xf2: {  	[sflag:s14] =	ssyncadd.s32 $0xFFFFC000  }
0xf3: {  	[tilespmem:s9], [sflag:$0x2] =	stream.indirect.gather [hbm4b:s6+s7], $0x80, s16, s7, $0xb8;
	[tilespmem:$0x8600] =	vst v63  }
0xf4: {  	_ =	swait.ge [sflag:s10], $0x4000  }
0xf5: {  	[sflag:s10] =	ssyncset.done $0x0  }
0xf6: {  	s0 =	rddreg [dreg:$0xa];
	[sflag:s10] =	ssyncadd.s32 $0xFFFFC000  }
0xf7: {  	[hbm4b:s0+s2] =	stream.linear.scatter [tilespmem:s8], [sflag:$0x3], $0x4000, $0x38;
	[tilespmem:$0x8600] =	vst v63  }
0xf8: {  	_ =	swait.ge [sflag:s11], $0x4000  }
0xf9: {  	[sflag:s11] =	ssyncset.done $0x0  }
0xfa: {  	[sflag:s11] =	ssyncadd.s32 $0xFFFFC000  }
0xfb: {  	[tilespmem:s8], [sflag:$0x1] =	stream.indirect.gather [hbm4b:s6+s7], $0x80, s17, s7, $0xb8;
	[tilespmem:$0x8600] =	vst v63  }
0xfc: {  	_ =	swait.ge [sflag:s13], $0x4000  }
0xfd: {  	[sflag:s13] =	ssyncset.done $0x0  }
0xfe: {  	s0 =	rddreg [dreg:$0xb];
	[sflag:s13] =	ssyncadd.s32 $0xFFFFC000  }
0xff: {  	[hbm4b:s0+s2] =	stream.linear.scatter [tilespmem:s9], [sflag:$0x4], $0x4000, $0x38;
	[tilespmem:$0x8600] =	vst v63  }
0x100: {  	_ =	swait.ge [sflag:s14], $0x4000  }
0x101: {  	[sflag:s14] =	ssyncset.done $0x0  }
0x102: {  	[sflag:s14] =	ssyncadd.s32 $0xFFFFC000  }
0x103: {  	[tilespmem:s9], [sflag:$0x2] =	stream.indirect.gather [hbm4b:s6+s7], $0x80, s18, s7, $0xb8;
	[tilespmem:$0x8600] =	vst v63  }
0x104: {  	_ =	swait.ge [sflag:s10], $0x4000  }
0x105: {  	[sflag:s10] =	ssyncset.done $0x0  }
0x106: {  	s0 =	rddreg [dreg:$0xc];
	[sflag:s10] =	ssyncadd.s32 $0xFFFFC000  }
0x107: {  	[hbm4b:s0+s2] =	stream.linear.scatter [tilespmem:s8], [sflag:$0x3], $0x4000, $0x38;
	[tilespmem:$0x8600] =	vst v63  }
0x108: {  	_ =	swait.ge [sflag:s11], $0x4000  }
0x109: {  	[sflag:s11] =	ssyncset.done $0x0  }
0x10a: {  	[sflag:s11] =	ssyncadd.s32 $0xFFFFC000  }
0x10b: {  	[tilespmem:s8], [sflag:$0x1] =	stream.indirect.gather [hbm4b:s19+s7], $0x80, s2, s7, $0xb8;
	[tilespmem:$0x8600] =	vst v63  }
0x10c: {  	_ =	swait.ge [sflag:s13], $0x4000  }
0x10d: {  	[sflag:s13] =	ssyncset.done $0x0  }
0x10e: {  	s0 =	rddreg [dreg:$0xd];
	[sflag:s13] =	ssyncadd.s32 $0xFFFFC000  }
0x10f: {  	[hbm4b:s0+s2] =	stream.linear.scatter [tilespmem:s9], [sflag:$0x4], $0x4000, $0x38;
	[tilespmem:$0x8600] =	vst v63  }
0x110: {  	_ =	swait.ge [sflag:s14], $0x4000  }
0x111: {  	[sflag:s14] =	ssyncset.done $0x0  }
0x112: {  	[sflag:s14] =	ssyncadd.s32 $0xFFFFC000  }
0x113: {  	[tilespmem:s9], [sflag:$0x2] =	stream.indirect.gather [hbm4b:s19+s7], $0x80, s7, s7, $0xb8;
	[tilespmem:$0x8600] =	vst v63  }
0x114: {  	_ =	swait.ge [sflag:s10], $0x4000  }
0x115: {  	[sflag:s10] =	ssyncset.done $0x0  }
0x116: {  	s0 =	rddreg [dreg:$0xe];
	[sflag:s10] =	ssyncadd.s32 $0xFFFFC000  }
0x117: {  	[hbm4b:s0+s2] =	stream.linear.scatter [tilespmem:s8], [sflag:$0x3], $0x4000, $0x38;
	[tilespmem:$0x8600] =	vst v63  }
0x118: {  	_ =	swait.ge [sflag:s11], $0x4000  }
0x119: {  	[sflag:s11] =	ssyncset.done $0x0  }
0x11a: {  	[sflag:s11] =	ssyncadd.s32 $0xFFFFC000  }
0x11b: {  	[tilespmem:s8], [sflag:$0x1] =	stream.indirect.gather [hbm4b:s19+s7], $0x80, s12, s7, $0xb8;
	[tilespmem:$0x8600] =	vst v63  }
0x11c: {  	_ =	swait.ge [sflag:s13], $0x4000  }
0x11d: {  	[sflag:s13] =	ssyncset.done $0x0  }
0x11e: {  	s0 =	rddreg [dreg:$0xf];
	[sflag:s13] =	ssyncadd.s32 $0xFFFFC000  }
0x11f: {  	[hbm4b:s0+s2] =	stream.linear.scatter [tilespmem:s9], [sflag:$0x4], $0x4000, $0x38;
	[tilespmem:$0x8600] =	vst v63  }
0x120: {  	_ =	swait.ge [sflag:s14], $0x4000  }
0x121: {  	[sflag:s14] =	ssyncset.done $0x0  }
0x122: {  	[sflag:s14] =	ssyncadd.s32 $0xFFFFC000  }
0x123: {  	[tilespmem:s9], [sflag:$0x2] =	stream.indirect.gather [hbm4b:s19+s7], $0x80, s15, s7, $0xb8;
	[tilespmem:$0x8600] =	vst v63  }
0x124: {  	_ =	swait.ge [sflag:s10], $0x4000  }
0x125: {  	[sflag:s10] =	ssyncset.done $0x0  }
0x126: {  	s0 =	rddreg [dreg:$0x10];
	[sflag:s10] =	ssyncadd.s32 $0xFFFFC000  }
0x127: {  	[hbm4b:s0+s2] =	stream.linear.scatter [tilespmem:s8], [sflag:$0x3], $0x4000, $0x38;
	[tilespmem:$0x8600] =	vst v63  }
0x128: {  	_ =	swait.ge [sflag:s11], $0x4000  }
0x129: {  	[sflag:s11] =	ssyncset.done $0x0  }
0x12a: {  	[sflag:s11] =	ssyncadd.s32 $0xFFFFC000  }
0x12b: {  	[tilespmem:s8], [sflag:$0x1] =	stream.indirect.gather [hbm4b:s19+s7], $0x80, s4, s7, $0xb8;
	[tilespmem:$0x8600] =	vst v63  }
0x12c: {  	_ =	swait.ge [sflag:s13], $0x4000  }
0x12d: {  	[sflag:s13] =	ssyncset.done $0x0  }
0x12e: {  	s0 =	rddreg [dreg:$0x11];
	[sflag:s13] =	ssyncadd.s32 $0xFFFFC000  }
0x12f: {  	[hbm4b:s0+s2] =	stream.linear.scatter [tilespmem:s9], [sflag:$0x4], $0x4000, $0x38;
	[tilespmem:$0x8600] =	vst v63  }
0x130: {  	_ =	swait.ge [sflag:s14], $0x4000  }
0x131: {  	[sflag:s14] =	ssyncset.done $0x0  }
0x132: {  	[sflag:s14] =	ssyncadd.s32 $0xFFFFC000  }
0x133: {  	[tilespmem:s9], [sflag:$0x2] =	stream.indirect.gather [hbm4b:s19+s7], $0x80, s16, s7, $0xb8;
	[tilespmem:$0x8600] =	vst v63  }
0x134: {  	_ =	swait.ge [sflag:s10], $0x4000  }
0x135: {  	[sflag:s10] =	ssyncset.done $0x0  }
0x136: {  	s0 =	rddreg [dreg:$0x12];
	[sflag:s10] =	ssyncadd.s32 $0xFFFFC000  }
0x137: {  	[hbm4b:s0+s2] =	stream.linear.scatter [tilespmem:s8], [sflag:$0x3], $0x4000, $0x38;
	[tilespmem:$0x8600] =	vst v63  }
0x138: {  	_ =	swait.ge [sflag:s11], $0x4000  }
0x139: {  	[sflag:s11] =	ssyncset.done $0x0  }
0x13a: {  	[sflag:s11] =	ssyncadd.s32 $0xFFFFC000  }
0x13b: {  	[tilespmem:s8], [sflag:$0x1] =	stream.indirect.gather [hbm4b:s19+s7], $0x80, s17, s7, $0xb8;
	[tilespmem:$0x8600] =	vst v63  }
0x13c: {  	_ =	swait.ge [sflag:s13], $0x4000  }
0x13d: {  	[sflag:s13] =	ssyncset.done $0x0  }
0x13e: {  	[sflag:s13] =	ssyncadd.s32 $0xFFFFC000  }
0x13f: {  	[hbm4b:s20+s2] =	stream.linear.scatter [tilespmem:s9], [sflag:$0x4], $0x4000, $0x38;
	[tilespmem:$0x8600] =	vst v63  }
0x140: {  	_ =	swait.ge [sflag:s14], $0x4000  }
0x141: {  	[sflag:s14] =	ssyncset.done $0x0  }
0x142: {  	[sflag:s14] =	ssyncadd.s32 $0xFFFFC000  }
0x143: {  	[tilespmem:s9], [sflag:$0x2] =	stream.indirect.gather [hbm4b:s19+s7], $0x80, s18, s7, $0xb8;
	[tilespmem:$0x8600] =	vst v63  }
0x144: {  	_ =	swait.ge [sflag:s10], $0x4000  }
0x145: {  	[sflag:s10] =	ssyncset.done $0x0  }
0x146: {  	[sflag:s10] =	ssyncadd.s32 $0xFFFFC000  }
0x147: {  	[hbm4b:s21+s2] =	stream.linear.scatter [tilespmem:s8], [sflag:$0x3], $0x4000, $0x38;
	[tilespmem:$0x8600] =	vst v63  }
0x148: {  	_ =	swait.ge [sflag:s11], $0x4000  }
0x149: {  	[sflag:s11] =	ssyncset.done $0x0  }
0x14a: {  	[sflag:s11] =	ssyncadd.s32 $0xFFFFC000  }
0x14b: {  	[tilespmem:s8], [sflag:$0x1] =	stream.indirect.gather [hbm4b:s22+s7], $0x80, s5, s7, $0xb8;
	[tilespmem:$0x8600] =	vst v63  }
0x14c: {  	_ =	swait.ge [sflag:s13], $0x4000  }
0x14d: {  	[sflag:s13] =	ssyncset.done $0x0  }
0x14e: {  	[sflag:s13] =	ssyncadd.s32 $0xFFFFC000  }
0x14f: {  	[hbm4b:s23+s2] =	stream.linear.scatter [tilespmem:s9], [sflag:$0x4], $0x4000, $0x38;
	[tilespmem:$0x8600] =	vst v63  }
0x150: {  	_ =	swait.ge [sflag:s14], $0x4000  }
0x151: {  	[sflag:s14] =	ssyncset.done $0x0  }
0x152: {  	[sflag:s14] =	ssyncadd.s32 $0xFFFFC000  }
0x153: {  	[tilespmem:s9], [sflag:$0x2] =	stream.indirect.gather [hbm4b:s22+s7], $0x80, s24, s7, $0xb8;
	[tilespmem:$0x8600] =	vst v63  }
0x154: {  	_ =	swait.ge [sflag:s10], $0x4000  }
0x155: {  	[sflag:s10] =	ssyncset.done $0x0  }
0x156: {  	[sflag:s10] =	ssyncadd.s32 $0xFFFFC000  }
0x157: {  	[hbm4b:s25+s2] =	stream.linear.scatter [tilespmem:s8], [sflag:$0x3], $0x4000, $0x38;
	[tilespmem:$0x8600] =	vst v63  }
0x158: {  	_ =	swait.ge [sflag:s11], $0x4000  }
0x159: {  	[sflag:s11] =	ssyncset.done $0x0  }
0x15a: {  	[sflag:s11] =	ssyncadd.s32 $0xFFFFC000  }
0x15b: {  	[tilespmem:s8], [sflag:$0x1] =	stream.indirect.gather [hbm4b:s22+s7], $0x80, s26, s7, $0xb8;
	[tilespmem:$0x8600] =	vst v63  }
0x15c: {  	_ =	swait.ge [sflag:s13], $0x4000  }
0x15d: {  	[sflag:s13] =	ssyncset.done $0x0  }
0x15e: {  	[sflag:s13] =	ssyncadd.s32 $0xFFFFC000  }
0x15f: {  	[hbm4b:s28+s2] =	stream.linear.scatter [tilespmem:s9], [sflag:$0x4], $0x4000, $0x38;
	[tilespmem:$0x8600] =	vst v63  }
0x160: {  	_ =	swait.ge [sflag:s14], $0x4000  }
0x161: {  	[sflag:s14] =	ssyncset.done $0x0  }
0x162: {  	[sflag:s14] =	ssyncadd.s32 $0xFFFFC000  }
0x163: {  	[tilespmem:s9], [sflag:$0x2] =	stream.indirect.gather [hbm4b:s22+s7], $0x80, s29, s7, $0xb8;
	[tilespmem:$0x8600] =	vst v63  }
0x164: {  	_ =	swait.ge [sflag:s10], $0x4000  }
0x165: {  	[sflag:s10] =	ssyncset.done $0x0  }
0x166: {  	[sflag:s10] =	ssyncadd.s32 $0xFFFFC000  }
0x167: {  	[hbm4b:s30+s2] =	stream.linear.scatter [tilespmem:s8], [sflag:$0x3], $0x4000, $0x38;
	[tilespmem:$0x8600] =	vst v63  }
0x168: {  	_ =	swait.ge [sflag:s13], $0x4000  }
0x169: {  	[sflag:s13] =	ssyncset.done $0x0  }
0x16a: {  	p0 =	sne.s32 s1, $0x1;
	[sflag:s13] =	ssyncadd.s32 $0xFFFFC000  }
0x16b: {  	[hbm4b:s31+s2] =	stream.linear.scatter [tilespmem:s9], [sflag:$0x4], $0x4000, $0x38;
	[tilespmem:$0x8600] =	vst v63  }
.Ltmp1:
0x16c: {  	_ =	swait.ge [sflag:s11], $0x4000;
	(pc) =	sbr.rel @p0 .LBB2_1-.Ltmp1, $4  }
0x16d: {  	[sflag:s11] =	ssyncset.done $0x0  }
0x16e: {  	[sflag:s11] =	ssyncadd.s32 $0xFFFFC000  }
0x16f: {  	_ =	swait.ge [sflag:s14], $0x4000  }
0x170: {  	s1 =	sadd.s32 $0xFFFFFFFF, s1;
	[sflag:s14] =	ssyncset.done $0x0  }
.LBB2_2:
0x171: {  	[sflag:s14] =	ssyncadd.s32 $0xFFFFC000  }
0x172: {  	_ =	sfence.sel $0x180000  }
0x173: {  	[bflag:$0x0] =	sbarrier.arrive $0xFFFF  }
0x174: {  	_ =	strace $0x90000047  }
0x175: {  	s0 =	stileid.u32;
	[bflag:$0x2] =	sbarrier.arrive $0xFFFF  }
0x176: {  	p0 =	sne.s32 s0, $0x0;
	s0 =	rddreg [dreg:$0x2]  }
0x177: {  	s0 =	sadd.s32 @!p0 $0x100000, s0  }
0x178: {  	[sflag:s0] =	ssyncadd.tile.s32 @!p0 $0x1;
	_ =	shalt  }
.Lfunc_end2:
_tile_overlayer_lowered:
.L_overlay_start_2:
0x179: {  	(tag) =	ssettag $0x2  }
0x17a: {  	s0 =	rddreg [dreg:$0x0];
	s2 =	stileid.u32  }
0x17b: {  	s1 =	rddreg [dreg:$0x1];
	p0 =	sne.s32 s2, $0x0  }
0x17c: {  	s3 =	rddreg [dreg:$0x2];
	[bflag:$0x3] =	sbarrier.arrive $0xFFFF;
	s2 =	simm.s32 @!p0 $0x1C05  }
0x17d: {  	[timem:s3], [sflag:s2] =	dma.local @!p0 [hbm:s0], s1  }
0x17e: {  	s0 =	simm.s32 @!p0 $0x5  }
0x17f: {  	_ =	swait.ge @!p0 [sflag:s0], s1  }
0x180: {  	s1 =	ssub.s32 @!p0 $0x0, s1;
	[sflag:s0] =	ssyncset.done @!p0 $0x0  }
0x181: {  	[sflag:s0] =	ssyncadd.s32 @!p0 s1  }
0x182: {  	[bflag:$0x3] =	sbarrier.arrive $0xFFFF  }
0x183: {  	_ =	shalt  }

</sc_bundles>
